<compile_context>
chip_gen: v7x
topology: tpu7x:2x2x1
jax: 0.10.2.dev20260603
libtpu: 0.0.44.dev20260713+nightly
codegen_flags: <defaults>
</compile_context>

<pallas_src>
import functools

import jax
import jax.numpy as jnp
from jax import lax
from jax.experimental import pallas as pl
from jax.experimental.pallas import tpu as pltpu
from jax.experimental.pallas import tpu_sc as plsc

DIM = 128
NUM_X_SHIFTS = 15
NUM_EDGE_EMB = 225
NUM_BRICKS = 1024
N_LEGO = 10000
N_EDGE = 320000
N_POINT = 50000

NC = 2
NS = 16
NW = NC * NS
L = 16

CH = 128
NBLK = N_EDGE // CH
T_MAIN = NBLK // NW
REM = NBLK - T_MAIN * NW
NBUF = 4


def _edge_gather_body(idx_hbm, table_hbm, out_hbm, table_v, *scratch):
    idx_v = scratch[0:NBUF]
    rows_v = scratch[NBUF:2 * NBUF]
    ssem = scratch[2 * NBUF:3 * NBUF]
    gsem = scratch[3 * NBUF:4 * NBUF]
    osem = scratch[4 * NBUF:5 * NBUF]
    wid = lax.axis_index("s") * NC + lax.axis_index("c")
    sid = lax.axis_index("s")

    def start_idx(g, b):
        pltpu.async_copy(idx_hbm.at[pl.ds(g * CH, CH)], idx_v[b], ssem[b])

    def wait_idx(g, b):
        pltpu.make_async_copy(idx_hbm.at[pl.ds(g * CH, CH)], idx_v[b],
                              ssem[b]).wait()

    def g_of0(t):
        return t * NW + wid

    for b in range(NBUF):
        start_idx(g_of0(b), b)

    TROWS = 16
    @pl.when(sid < NUM_EDGE_EMB // TROWS)
    def _():
        pltpu.sync_copy(table_hbm.at[pl.ds(sid * TROWS, TROWS)],
                        table_v.at[pl.ds(sid * TROWS, TROWS)])

    @pl.when(sid == NUM_EDGE_EMB // TROWS)
    def _():
        rem_base = (NUM_EDGE_EMB // TROWS) * TROWS
        pltpu.sync_copy(table_hbm.at[pl.ds(rem_base, NUM_EDGE_EMB - rem_base)],
                        table_v.at[pl.ds(rem_base, NUM_EDGE_EMB - rem_base)])

    plsc.subcore_barrier()

    def start_gather(b):
        pltpu.async_copy(table_v.at[idx_v[b]], rows_v[b], gsem[b])

    def wait_gather(b):
        pltpu.make_async_copy(table_v.at[idx_v[b]], rows_v[b],
                              gsem[b]).wait()

    def start_out(g, b):
        pltpu.async_copy(rows_v[b], out_hbm.at[pl.ds(g * CH, CH)], osem[b])

    def wait_out(g, b):
        pltpu.make_async_copy(rows_v[b], out_hbm.at[pl.ds(g * CH, CH)],
                              osem[b]).wait()

    def g_of(t):
        return t * NW + wid

    def tail(t, b1, prefetch=True):
        wait_gather(b1)
        start_out(g_of(t - 1), b1)
        if prefetch:
            start_idx(g_of(t + NBUF - 1), b1)

    for t in range(NBUF):
        b = t % NBUF
        wait_idx(g_of(t), b)
        start_gather(b)
        if t >= 1:
            tail(t, (t - 1) % NBUF)

    def steady(k, carry):
        for b in range(NBUF):
            t = k * NBUF + b
            wait_idx(g_of(t), b)
            wait_out(g_of(t - NBUF), b)
            start_gather(b)
            tail(t, (b - 1) % NBUF)
        return carry

    lax.fori_loop(1, T_MAIN // NBUF - 1, steady, 0)

    for t in range(T_MAIN - 6, T_MAIN):
        b = t % NBUF
        wait_idx(g_of(t), b)
        wait_out(g_of(t - NBUF), b)
        start_gather(b)
        tail(t, (t - 1) % NBUF, prefetch=(t + NBUF - 1 < T_MAIN))
    bl = (T_MAIN - 1) % NBUF
    wait_gather(bl)
    start_out(g_of(T_MAIN - 1), bl)
    for t in range(T_MAIN - NBUF, T_MAIN):
        wait_out(g_of(t), t % NBUF)

    @pl.when(wid < REM)
    def _():
        g = T_MAIN * NW + wid
        pltpu.sync_copy(idx_hbm.at[pl.ds(g * CH, CH)], idx_v[0])
        pltpu.async_copy(table_v.at[idx_v[0]], rows_v[0], gsem[0]).wait()
        pltpu.sync_copy(rows_v[0], out_hbm.at[pl.ds(g * CH, CH)])


_edge_gather = functools.partial(
    pl.kernel,
    out_type=jax.ShapeDtypeStruct((N_EDGE, DIM), jnp.float32),
    mesh=plsc.VectorSubcoreMesh(
        core_axis_name="c", subcore_axis_name="s", num_cores=NC, num_subcores=NS
    ),
    scratch_types=(
        [pltpu.VMEM_SHARED((NUM_EDGE_EMB, DIM), jnp.float32)]
        + [pltpu.VMEM((CH,), jnp.int32)] * NBUF
        + [pltpu.VMEM((CH, DIM), jnp.float32)] * NBUF
        + [pltpu.SemaphoreType.DMA] * (3 * NBUF)
    ),
    compiler_params=pltpu.CompilerParams(needs_layout_passes=False),
)(_edge_gather_body)


LEGO_BLK = 1000
POINT_BLK = 5000
GRID = N_LEGO // LEGO_BLK


def _dense_body(ids_ref, lego_pos_ref, point_pos_ref, brick_ref, wpos_ref,
                bpos_ref, wpoint_ref, bpoint_ref, lego_out_ref, point_out_ref):
    ids = ids_ref[0, 0, :]
    onehot = (ids[:, None] == lax.broadcasted_iota(
        jnp.int32, (LEGO_BLK, NUM_BRICKS), 1)).astype(jnp.bfloat16)
    brick = jnp.dot(onehot, brick_ref[...], preferred_element_type=jnp.float32)
    proj = jnp.dot(lego_pos_ref[...], wpos_ref[...],
                   preferred_element_type=jnp.float32)
    lego_out_ref[...] = brick + proj + bpos_ref[...]
    point_out_ref[...] = jnp.dot(point_pos_ref[...], wpoint_ref[...],
                                 preferred_element_type=jnp.float32) + bpoint_ref[...]


def _dense(ids3, lego_pos, point_pos, brick_bf16, w_pos, b_pos, w_point, b_point):
    return pl.pallas_call(
        _dense_body,
        grid=(GRID,),
        in_specs=[
            pl.BlockSpec((1, 1, LEGO_BLK), lambda i: (i, 0, 0)),
            pl.BlockSpec((LEGO_BLK, 6), lambda i: (i, 0)),
            pl.BlockSpec((POINT_BLK, 3), lambda i: (i, 0)),
            pl.BlockSpec((NUM_BRICKS, DIM), lambda i: (0, 0)),
            pl.BlockSpec((6, DIM), lambda i: (0, 0)),
            pl.BlockSpec((1, DIM), lambda i: (0, 0)),
            pl.BlockSpec((3, DIM), lambda i: (0, 0)),
            pl.BlockSpec((1, DIM), lambda i: (0, 0)),
        ],
        out_specs=[
            pl.BlockSpec((LEGO_BLK, DIM), lambda i: (i, 0)),
            pl.BlockSpec((POINT_BLK, DIM), lambda i: (i, 0)),
        ],
        out_shape=[
            jax.ShapeDtypeStruct((N_LEGO, DIM), jnp.float32),
            jax.ShapeDtypeStruct((N_POINT, DIM), jnp.float32),
        ],
    )(ids3, lego_pos, point_pos, brick_bf16, w_pos, b_pos, w_point, b_point)


def kernel(lego_brick_ids, lego_pos, edge_shifts, point_pos,
           brick_table, edge_table, W_pos, b_pos, W_point, b_point):
    shifts32 = edge_shifts.astype(jnp.int32)
    idx32 = shifts32[:, 0] * NUM_X_SHIFTS + shifts32[:, 1]
    edge_attr = _edge_gather(idx32, edge_table)

    ids3 = lego_brick_ids.astype(jnp.int32).reshape(GRID, 1, LEGO_BLK)
    lego_x, point_x = _dense(
        ids3, lego_pos, point_pos, brick_table.astype(jnp.bfloat16),
        W_pos, b_pos.reshape(1, DIM), W_point, b_point.reshape(1, DIM))
    return (lego_x, edge_attr, point_x)

# --- scband reference (transcript-rebuilt; emitter-appended) ---
"""Pipeline reference for scband-graph-embed-14164802142587 (READ-ONLY COPY).

The authoritative reference and input builder live on the scoring server;
editing this copy changes nothing except your own understanding.
"""

import jax, jax.numpy as jnp
import numpy as np

DIM = 128
MAX_X = 7
MAX_Y = 7
NUM_X_SHIFTS = 2 * MAX_X + 1  # 15
NUM_EDGE_EMB = (2 * MAX_X + 1) * (2 * MAX_Y + 1)  # 225
NUM_BRICKS = 1024
N_LEGO = 10000
N_EDGE = 320000
N_POINT = 50000


def setup_inputs(seed: int = 0) -> dict:
    key = jax.random.key(seed)
    ks = jax.random.split(key, 12)
    return {
        # forward args (graph flattened into tensors)
        "lego_brick_ids": jax.random.randint(ks[0], (N_LEGO,), 0, NUM_BRICKS),
        "lego_pos": jax.random.normal(ks[1], (N_LEGO, 6), dtype=jnp.float32),
        # edge_shifts[:,0] = x_shift + MAX_X, edge_shifts[:,1] = y_shift + MAX_Y, both in [0, 15)
        "edge_shifts": jax.random.randint(ks[2], (N_EDGE, 2), 0, NUM_X_SHIFTS),
        "point_pos": jax.random.normal(ks[3], (N_POINT, 3), dtype=jnp.float32),
        # learned parameters
        "brick_table": jax.random.normal(ks[4], (NUM_BRICKS, DIM), dtype=jnp.float32) * 0.02,
        "edge_table": jax.random.normal(ks[5], (NUM_EDGE_EMB, DIM), dtype=jnp.float32) * 0.02,
        "W_pos": jax.random.normal(ks[6], (6, DIM), dtype=jnp.float32) * (1.0 / np.sqrt(6.0)),
        "b_pos": jnp.zeros((DIM,), dtype=jnp.float32),
        "W_point": jax.random.normal(ks[7], (3, DIM), dtype=jnp.float32) * (1.0 / np.sqrt(3.0)),
        "b_point": jnp.zeros((DIM,), dtype=jnp.float32),
    }


def reference(lego_brick_ids, lego_pos, edge_shifts, point_pos,
              brick_table, edge_table, W_pos, b_pos, W_point, b_point):
    # lego_x = brick_emb(lego.x) + pos_proj(lego.pos)
    brick_e = jnp.take(brick_table, lego_brick_ids, axis=0)
    lego_x = brick_e + (lego_pos @ W_pos + b_pos)

    # to_edge_ids: idx = (x_shift + max_x) * num_x_shifts + (y_shift + max_y)
    # (faithful to original, which uses num_x_shifts for both axes)
    x_shift = edge_shifts[:, 0] - MAX_X
    y_shift = edge_shifts[:, 1] - MAX_Y
    idx = (x_shift + MAX_X) * NUM_X_SHIFTS + (y_shift + MAX_Y)
    lego_edge_attr = jnp.take(edge_table, idx.astype(jnp.int32), axis=0)

    # point_x = point_proj(point.pos)
    point_x = point_pos @ W_point + b_point

    # x_dict = {'lego': lego_x, 'point': point_x}; edge_attr_dict = {('lego','to','lego'): lego_edge_attr}
    return (lego_x, lego_edge_attr, point_x)

if __name__ == "__main__":
    import jax
    _d = setup_inputs()
    print(jax.jit(kernel)(*tuple(_d.values())))

</pallas_src>

<mosaic_0001>
#map = affine_map<(d0, d1) -> (0)>
#map1 = affine_map<(d0, d1) -> (0, 0)>
module attributes {stable_mosaic.version = 14 : i64} {
  func.func @_edge_gather_body(%arg0: i32, %arg1: i32, %arg2: memref<320000xi32, #tpu.memory_space<hbm>>, %arg3: memref<225x128xf32, #tpu.memory_space<hbm>>, %arg4: memref<320000x128xf32, #tpu.memory_space<hbm>>, %arg5: memref<225x128xf32, #tpu.memory_space<vmem_shared>>, %arg6: memref<128xi32, #tpu.memory_space<vmem>>, %arg7: memref<128xi32, #tpu.memory_space<vmem>>, %arg8: memref<128xi32, #tpu.memory_space<vmem>>, %arg9: memref<128xi32, #tpu.memory_space<vmem>>, %arg10: memref<128x128xf32, #tpu.memory_space<vmem>>, %arg11: memref<128x128xf32, #tpu.memory_space<vmem>>, %arg12: memref<128x128xf32, #tpu.memory_space<vmem>>, %arg13: memref<128x128xf32, #tpu.memory_space<vmem>>, %arg14: memref<!tpu.dma_semaphore, #tpu.memory_space<semaphore_mem>>, %arg15: memref<!tpu.dma_semaphore, #tpu.memory_space<semaphore_mem>>, %arg16: memref<!tpu.dma_semaphore, #tpu.memory_space<semaphore_mem>>, %arg17: memref<!tpu.dma_semaphore, #tpu.memory_space<semaphore_mem>>, %arg18: memref<!tpu.dma_semaphore, #tpu.memory_space<semaphore_mem>>, %arg19: memref<!tpu.dma_semaphore, #tpu.memory_space<semaphore_mem>>, %arg20: memref<!tpu.dma_semaphore, #tpu.memory_space<semaphore_mem>>, %arg21: memref<!tpu.dma_semaphore, #tpu.memory_space<semaphore_mem>>, %arg22: memref<!tpu.dma_semaphore, #tpu.memory_space<semaphore_mem>>, %arg23: memref<!tpu.dma_semaphore, #tpu.memory_space<semaphore_mem>>, %arg24: memref<!tpu.dma_semaphore, #tpu.memory_space<semaphore_mem>>, %arg25: memref<!tpu.dma_semaphore, #tpu.memory_space<semaphore_mem>>) attributes {dimension_semantics = [#tpu.dimension_semantics<core_parallel>, #tpu.dimension_semantics<subcore_parallel>], iteration_bounds = array<i64: 2, 16>, scalar_prefetch = 0 : i64, scratch_operands = 21 : i64, tpu.core_type = #tpu.core_type<sc_vector_subcore>, window_params = [{transform_indices = #map}, {transform_indices = #map1}, {transform_indices = #map1}]} {
    %mul3A = arith.constant 2 : i32
    %mul3A_0 = arith.muli %arg1, %mul3A : i32
    %add3A = arith.addi %mul3A_0, %arg0 : i32
    %add3A_1 = arith.constant 0 : i32
    %add3A_2 = arith.addi %add3A_1, %add3A : i32
    %mul3A_3 = arith.constant 128 : i32
    %mul3A_4 = arith.muli %add3A_2, %mul3A_3 : i32
    %dma_start3A = tpu.memref_slice %arg2[%mul3A_4] : memref<320000xi32, #tpu.memory_space<hbm>> -> memref<128xi32, #tpu.memory_space<hbm>>
    %dma_start3A_5 = tpu.memref_slice %arg2[%mul3A_4] : memref<320000xi32, #tpu.memory_space<hbm>> -> memref<128xi32, #tpu.memory_space<hbm>>
    tpu.enqueue_dma source(%dma_start3A_5 : memref<128xi32, #tpu.memory_space<hbm>>) target(%arg6 : memref<128xi32, #tpu.memory_space<vmem>>) target_semaphore(%arg14 : memref<!tpu.dma_semaphore, #tpu.memory_space<semaphore_mem>>)
    %add3A_6 = arith.constant 32 : i32
    %add3A_7 = arith.addi %add3A_6, %add3A : i32
    %mul3A_8 = arith.constant 128 : i32
    %mul3A_9 = arith.muli %add3A_7, %mul3A_8 : i32
    %dma_start3A_10 = tpu.memref_slice %arg2[%mul3A_9] : memref<320000xi32, #tpu.memory_space<hbm>> -> memref<128xi32, #tpu.memory_space<hbm>>
    %dma_start3A_11 = tpu.memref_slice %arg2[%mul3A_9] : memref<320000xi32, #tpu.memory_space<hbm>> -> memref<128xi32, #tpu.memory_space<hbm>>
    tpu.enqueue_dma source(%dma_start3A_11 : memref<128xi32, #tpu.memory_space<hbm>>) target(%arg7 : memref<128xi32, #tpu.memory_space<vmem>>) target_semaphore(%arg15 : memref<!tpu.dma_semaphore, #tpu.memory_space<semaphore_mem>>)
    %add3A_12 = arith.constant 64 : i32
    %add3A_13 = arith.addi %add3A_12, %add3A : i32
    %mul3A_14 = arith.constant 128 : i32
    %mul3A_15 = arith.muli %add3A_13, %mul3A_14 : i32
    %dma_start3A_16 = tpu.memref_slice %arg2[%mul3A_15] : memref<320000xi32, #tpu.memory_space<hbm>> -> memref<128xi32, #tpu.memory_space<hbm>>
    %dma_start3A_17 = tpu.memref_slice %arg2[%mul3A_15] : memref<320000xi32, #tpu.memory_space<hbm>> -> memref<128xi32, #tpu.memory_space<hbm>>
    tpu.enqueue_dma source(%dma_start3A_17 : memref<128xi32, #tpu.memory_space<hbm>>) target(%arg8 : memref<128xi32, #tpu.memory_space<vmem>>) target_semaphore(%arg16 : memref<!tpu.dma_semaphore, #tpu.memory_space<semaphore_mem>>)
    %add3A_18 = arith.constant 96 : i32
    %add3A_19 = arith.addi %add3A_18, %add3A : i32
    %mul3A_20 = arith.constant 128 : i32
    %mul3A_21 = arith.muli %add3A_19, %mul3A_20 : i32
    %dma_start3A_22 = tpu.memref_slice %arg2[%mul3A_21] : memref<320000xi32, #tpu.memory_space<hbm>> -> memref<128xi32, #tpu.memory_space<hbm>>
    %dma_start3A_23 = tpu.memref_slice %arg2[%mul3A_21] : memref<320000xi32, #tpu.memory_space<hbm>> -> memref<128xi32, #tpu.memory_space<hbm>>
    tpu.enqueue_dma source(%dma_start3A_23 : memref<128xi32, #tpu.memory_space<hbm>>) target(%arg9 : memref<128xi32, #tpu.memory_space<vmem>>) target_semaphore(%arg17 : memref<!tpu.dma_semaphore, #tpu.memory_space<semaphore_mem>>)
    %lt3A = arith.constant 14 : i32
    %lt3A_24 = arith.cmpi slt, %arg1, %lt3A : i32
    %convert_element_type3A = arith.extui %lt3A_24 : i1 to i32
    %cond3A = arith.constant 0 : i32
    %cond3A_25 = arith.cmpi ne, %convert_element_type3A, %cond3A : i32
    scf.if %cond3A_25 {
      %mul3A_355 = arith.constant 16 : i32
      %mul3A_356 = arith.muli %arg1, %mul3A_355 : i32
      %mul3A_357 = arith.constant 16 : i32
      %mul3A_358 = arith.muli %arg1, %mul3A_357 : i32
      "tpu.region"() ({
        %run_scoped3A = tpu.sem_alloc : memref<!tpu.dma_semaphore, #tpu.memory_space<semaphore_mem>>
        %dma_start3A_359 = arith.constant 0 : i32
        %dma_start3A_360 = tpu.memref_slice %arg5[%mul3A_358, %dma_start3A_359] : memref<225x128xf32, #tpu.memory_space<vmem_shared>> -> memref<16x128xf32, #tpu.memory_space<vmem_shared>>
        %dma_start3A_361 = arith.constant 0 : i32
        %dma_start3A_362 = tpu.memref_slice %arg3[%mul3A_356, %dma_start3A_361] : memref<225x128xf32, #tpu.memory_space<hbm>> -> memref<16x128xf32, #tpu.memory_space<hbm>>
        tpu.enqueue_dma source(%dma_start3A_362 : memref<16x128xf32, #tpu.memory_space<hbm>>) target(%dma_start3A_360 : memref<16x128xf32, #tpu.memory_space<vmem_shared>>) target_semaphore(%run_scoped3A : memref<!tpu.dma_semaphore, #tpu.memory_space<semaphore_mem>>)
        %dma_wait3A_363 = arith.constant 0 : i32
        %dma_wait3A_364 = tpu.memref_slice %arg5[%mul3A_358, %dma_wait3A_363] : memref<225x128xf32, #tpu.memory_space<vmem_shared>> -> memref<16x128xf32, #tpu.memory_space<vmem_shared>>
        %dma_wait3A_365 = arith.constant 0 : i32
        %dma_wait3A_366 = tpu.memref_slice %arg3[%mul3A_356, %dma_wait3A_365] : memref<225x128xf32, #tpu.memory_space<hbm>> -> memref<16x128xf32, #tpu.memory_space<hbm>>
        tpu.wait_dma2 semaphore(%run_scoped3A : memref<!tpu.dma_semaphore, #tpu.memory_space<semaphore_mem>>) src(%dma_wait3A_366 : memref<16x128xf32, #tpu.memory_space<hbm>>) dst(%dma_wait3A_364 : memref<16x128xf32, #tpu.memory_space<vmem_shared>>)
        tpu.yield
      }) : () -> ()
    } else {
    }
    %eq3A = arith.constant 14 : i32
    %eq3A_26 = arith.cmpi eq, %arg1, %eq3A : i32
    %convert_element_type3A_27 = arith.extui %eq3A_26 : i1 to i32
    %cond3A_28 = arith.constant 0 : i32
    %cond3A_29 = arith.cmpi ne, %convert_element_type3A_27, %cond3A_28 : i32
    scf.if %cond3A_29 {
      "tpu.region"() ({
        %run_scoped3A = tpu.sem_alloc : memref<!tpu.dma_semaphore, #tpu.memory_space<semaphore_mem>>
        %dma_start3A_355 = arith.constant 224 : i32
        %dma_start3A_356 = arith.constant 0 : i32
        %dma_start3A_357 = tpu.memref_slice %arg5[%dma_start3A_355, %dma_start3A_356] : memref<225x128xf32, #tpu.memory_space<vmem_shared>> -> memref<1x128xf32, #tpu.memory_space<vmem_shared>>
        %dma_start3A_358 = arith.constant 224 : i32
        %dma_start3A_359 = arith.constant 0 : i32
        %dma_start3A_360 = tpu.memref_slice %arg3[%dma_start3A_358, %dma_start3A_359] : memref<225x128xf32, #tpu.memory_space<hbm>> -> memref<1x128xf32, #tpu.memory_space<hbm>>
        tpu.enqueue_dma source(%dma_start3A_360 : memref<1x128xf32, #tpu.memory_space<hbm>>) target(%dma_start3A_357 : memref<1x128xf32, #tpu.memory_space<vmem_shared>>) target_semaphore(%run_scoped3A : memref<!tpu.dma_semaphore, #tpu.memory_space<semaphore_mem>>)
        %dma_wait3A_361 = arith.constant 224 : i32
        %dma_wait3A_362 = arith.constant 0 : i32
        %dma_wait3A_363 = tpu.memref_slice %arg5[%dma_wait3A_361, %dma_wait3A_362] : memref<225x128xf32, #tpu.memory_space<vmem_shared>> -> memref<1x128xf32, #tpu.memory_space<vmem_shared>>
        %dma_wait3A_364 = arith.constant 224 : i32
        %dma_wait3A_365 = arith.constant 0 : i32
        %dma_wait3A_366 = tpu.memref_slice %arg3[%dma_wait3A_364, %dma_wait3A_365] : memref<225x128xf32, #tpu.memory_space<hbm>> -> memref<1x128xf32, #tpu.memory_space<hbm>>
        tpu.wait_dma2 semaphore(%run_scoped3A : memref<!tpu.dma_semaphore, #tpu.memory_space<semaphore_mem>>) src(%dma_wait3A_366 : memref<1x128xf32, #tpu.memory_space<hbm>>) dst(%dma_wait3A_363 : memref<1x128xf32, #tpu.memory_space<vmem_shared>>)
        tpu.yield
      }) : () -> ()
    } else {
    }
    %barrier3A = arith.constant 0 : index
    tpu.barrier barrier_id(%barrier3A)
    %add3A_30 = arith.constant 0 : i32
    %add3A_31 = arith.addi %add3A_30, %add3A : i32
    %mul3A_32 = arith.constant 128 : i32
    %mul3A_33 = arith.muli %add3A_31, %mul3A_32 : i32
    %dma_wait3A = tpu.memref_slice %arg2[%mul3A_33] : memref<320000xi32, #tpu.memory_space<hbm>> -> memref<128xi32, #tpu.memory_space<hbm>>
    %dma_wait3A_34 = tpu.memref_slice %arg2[%mul3A_33] : memref<320000xi32, #tpu.memory_space<hbm>> -> memref<128xi32, #tpu.memory_space<hbm>>
    tpu.wait_dma2 semaphore(%arg14 : memref<!tpu.dma_semaphore, #tpu.memory_space<semaphore_mem>>) src(%dma_wait3A_34 : memref<128xi32, #tpu.memory_space<hbm>>) dst(%arg6 : memref<128xi32, #tpu.memory_space<vmem>>)
    %dma_start3A_35 = arith.constant 0 : i32
    %dma_start3A_36 = arith.constant 0 : i32
    %dma_start3A_37 = tpu.memref_slice %arg5[%dma_start3A_35, %dma_start3A_36] : memref<225x128xf32, #tpu.memory_space<vmem_shared>> -> memref<225x128xf32, #tpu.memory_space<vmem_shared>>
    tpu.enqueue_indirect_dma source(%dma_start3A_37 : memref<225x128xf32, #tpu.memory_space<vmem_shared>>) target(%arg10 : memref<128x128xf32, #tpu.memory_space<vmem>>) offsets(%arg6 : memref<128xi32, #tpu.memory_space<vmem>>) semaphore(%arg18 : memref<!tpu.dma_semaphore, #tpu.memory_space<semaphore_mem>>)
    %add3A_38 = arith.constant 32 : i32
    %add3A_39 = arith.addi %add3A_38, %add3A : i32
    %mul3A_40 = arith.constant 128 : i32
    %mul3A_41 = arith.muli %add3A_39, %mul3A_40 : i32
    %dma_wait3A_42 = tpu.memref_slice %arg2[%mul3A_41] : memref<320000xi32, #tpu.memory_space<hbm>> -> memref<128xi32, #tpu.memory_space<hbm>>
    %dma_wait3A_43 = tpu.memref_slice %arg2[%mul3A_41] : memref<320000xi32, #tpu.memory_space<hbm>> -> memref<128xi32, #tpu.memory_space<hbm>>
    tpu.wait_dma2 semaphore(%arg15 : memref<!tpu.dma_semaphore, #tpu.memory_space<semaphore_mem>>) src(%dma_wait3A_43 : memref<128xi32, #tpu.memory_space<hbm>>) dst(%arg7 : memref<128xi32, #tpu.memory_space<vmem>>)
    %dma_start3A_44 = arith.constant 0 : i32
    %dma_start3A_45 = arith.constant 0 : i32
    %dma_start3A_46 = tpu.memref_slice %arg5[%dma_start3A_44, %dma_start3A_45] : memref<225x128xf32, #tpu.memory_space<vmem_shared>> -> memref<225x128xf32, #tpu.memory_space<vmem_shared>>
    tpu.enqueue_indirect_dma source(%dma_start3A_46 : memref<225x128xf32, #tpu.memory_space<vmem_shared>>) target(%arg11 : memref<128x128xf32, #tpu.memory_space<vmem>>) offsets(%arg7 : memref<128xi32, #tpu.memory_space<vmem>>) semaphore(%arg19 : memref<!tpu.dma_semaphore, #tpu.memory_space<semaphore_mem>>)
    %dma_wait3A_47 = arith.constant 0 : i32
    %dma_wait3A_48 = arith.constant 0 : i32
    %dma_wait3A_49 = tpu.memref_slice %arg5[%dma_wait3A_47, %dma_wait3A_48] : memref<225x128xf32, #tpu.memory_space<vmem_shared>> -> memref<225x128xf32, #tpu.memory_space<vmem_shared>>
    tpu.wait_indirect_dma semaphore(%arg18 : memref<!tpu.dma_semaphore, #tpu.memory_space<semaphore_mem>>) src(%dma_wait3A_49 : memref<225x128xf32, #tpu.memory_space<vmem_shared>>) dst(%arg10 : memref<128x128xf32, #tpu.memory_space<vmem>>)
    %add3A_50 = arith.constant 0 : i32
    %add3A_51 = arith.addi %add3A_50, %add3A : i32
    %mul3A_52 = arith.constant 128 : i32
    %mul3A_53 = arith.muli %add3A_51, %mul3A_52 : i32
    %dma_start3A_54 = arith.constant 0 : i32
    %dma_start3A_55 = tpu.memref_slice %arg4[%mul3A_53, %dma_start3A_54] : memref<320000x128xf32, #tpu.memory_space<hbm>> -> memref<128x128xf32, #tpu.memory_space<hbm>>
    %dma_start3A_56 = arith.constant 0 : i32
    %dma_start3A_57 = tpu.memref_slice %arg4[%mul3A_53, %dma_start3A_56] : memref<320000x128xf32, #tpu.memory_space<hbm>> -> memref<128x128xf32, #tpu.memory_space<hbm>>
    tpu.enqueue_dma source(%arg10 : memref<128x128xf32, #tpu.memory_space<vmem>>) target(%dma_start3A_57 : memref<128x128xf32, #tpu.memory_space<hbm>>) target_semaphore(%arg22 : memref<!tpu.dma_semaphore, #tpu.memory_space<semaphore_mem>>)
    %add3A_58 = arith.constant 128 : i32
    %add3A_59 = arith.addi %add3A_58, %add3A : i32
    %mul3A_60 = arith.constant 128 : i32
    %mul3A_61 = arith.muli %add3A_59, %mul3A_60 : i32
    %dma_start3A_62 = tpu.memref_slice %arg2[%mul3A_61] : memref<320000xi32, #tpu.memory_space<hbm>> -> memref<128xi32, #tpu.memory_space<hbm>>
    %dma_start3A_63 = tpu.memref_slice %arg2[%mul3A_61] : memref<320000xi32, #tpu.memory_space<hbm>> -> memref<128xi32, #tpu.memory_space<hbm>>
    tpu.enqueue_dma source(%dma_start3A_63 : memref<128xi32, #tpu.memory_space<hbm>>) target(%arg6 : memref<128xi32, #tpu.memory_space<vmem>>) target_semaphore(%arg14 : memref<!tpu.dma_semaphore, #tpu.memory_space<semaphore_mem>>)
    %add3A_64 = arith.constant 64 : i32
    %add3A_65 = arith.addi %add3A_64, %add3A : i32
    %mul3A_66 = arith.constant 128 : i32
    %mul3A_67 = arith.muli %add3A_65, %mul3A_66 : i32
    %dma_wait3A_68 = tpu.memref_slice %arg2[%mul3A_67] : memref<320000xi32, #tpu.memory_space<hbm>> -> memref<128xi32, #tpu.memory_space<hbm>>
    %dma_wait3A_69 = tpu.memref_slice %arg2[%mul3A_67] : memref<320000xi32, #tpu.memory_space<hbm>> -> memref<128xi32, #tpu.memory_space<hbm>>
    tpu.wait_dma2 semaphore(%arg16 : memref<!tpu.dma_semaphore, #tpu.memory_space<semaphore_mem>>) src(%dma_wait3A_69 : memref<128xi32, #tpu.memory_space<hbm>>) dst(%arg8 : memref<128xi32, #tpu.memory_space<vmem>>)
    %dma_start3A_70 = arith.constant 0 : i32
    %dma_start3A_71 = arith.constant 0 : i32
    %dma_start3A_72 = tpu.memref_slice %arg5[%dma_start3A_70, %dma_start3A_71] : memref<225x128xf32, #tpu.memory_space<vmem_shared>> -> memref<225x128xf32, #tpu.memory_space<vmem_shared>>
    tpu.enqueue_indirect_dma source(%dma_start3A_72 : memref<225x128xf32, #tpu.memory_space<vmem_shared>>) target(%arg12 : memref<128x128xf32, #tpu.memory_space<vmem>>) offsets(%arg8 : memref<128xi32, #tpu.memory_space<vmem>>) semaphore(%arg20 : memref<!tpu.dma_semaphore, #tpu.memory_space<semaphore_mem>>)
    %dma_wait3A_73 = arith.constant 0 : i32
    %dma_wait3A_74 = arith.constant 0 : i32
    %dma_wait3A_75 = tpu.memref_slice %arg5[%dma_wait3A_73, %dma_wait3A_74] : memref<225x128xf32, #tpu.memory_space<vmem_shared>> -> memref<225x128xf32, #tpu.memory_space<vmem_shared>>
    tpu.wait_indirect_dma semaphore(%arg19 : memref<!tpu.dma_semaphore, #tpu.memory_space<semaphore_mem>>) src(%dma_wait3A_75 : memref<225x128xf32, #tpu.memory_space<vmem_shared>>) dst(%arg11 : memref<128x128xf32, #tpu.memory_space<vmem>>)
    %add3A_76 = arith.constant 32 : i32
    %add3A_77 = arith.addi %add3A_76, %add3A : i32
    %mul3A_78 = arith.constant 128 : i32
    %mul3A_79 = arith.muli %add3A_77, %mul3A_78 : i32
    %dma_start3A_80 = arith.constant 0 : i32
    %dma_start3A_81 = tpu.memref_slice %arg4[%mul3A_79, %dma_start3A_80] : memref<320000x128xf32, #tpu.memory_space<hbm>> -> memref<128x128xf32, #tpu.memory_space<hbm>>
    %dma_start3A_82 = arith.constant 0 : i32
    %dma_start3A_83 = tpu.memref_slice %arg4[%mul3A_79, %dma_start3A_82] : memref<320000x128xf32, #tpu.memory_space<hbm>> -> memref<128x128xf32, #tpu.memory_space<hbm>>
    tpu.enqueue_dma source(%arg11 : memref<128x128xf32, #tpu.memory_space<vmem>>) target(%dma_start3A_83 : memref<128x128xf32, #tpu.memory_space<hbm>>) target_semaphore(%arg23 : memref<!tpu.dma_semaphore, #tpu.memory_space<semaphore_mem>>)
    %add3A_84 = arith.constant 160 : i32
    %add3A_85 = arith.addi %add3A_84, %add3A : i32
    %mul3A_86 = arith.constant 128 : i32
    %mul3A_87 = arith.muli %add3A_85, %mul3A_86 : i32
    %dma_start3A_88 = tpu.memref_slice %arg2[%mul3A_87] : memref<320000xi32, #tpu.memory_space<hbm>> -> memref<128xi32, #tpu.memory_space<hbm>>
    %dma_start3A_89 = tpu.memref_slice %arg2[%mul3A_87] : memref<320000xi32, #tpu.memory_space<hbm>> -> memref<128xi32, #tpu.memory_space<hbm>>
    tpu.enqueue_dma source(%dma_start3A_89 : memref<128xi32, #tpu.memory_space<hbm>>) target(%arg7 : memref<128xi32, #tpu.memory_space<vmem>>) target_semaphore(%arg15 : memref<!tpu.dma_semaphore, #tpu.memory_space<semaphore_mem>>)
    %add3A_90 = arith.constant 96 : i32
    %add3A_91 = arith.addi %add3A_90, %add3A : i32
    %mul3A_92 = arith.constant 128 : i32
    %mul3A_93 = arith.muli %add3A_91, %mul3A_92 : i32
    %dma_wait3A_94 = tpu.memref_slice %arg2[%mul3A_93] : memref<320000xi32, #tpu.memory_space<hbm>> -> memref<128xi32, #tpu.memory_space<hbm>>
    %dma_wait3A_95 = tpu.memref_slice %arg2[%mul3A_93] : memref<320000xi32, #tpu.memory_space<hbm>> -> memref<128xi32, #tpu.memory_space<hbm>>
    tpu.wait_dma2 semaphore(%arg17 : memref<!tpu.dma_semaphore, #tpu.memory_space<semaphore_mem>>) src(%dma_wait3A_95 : memref<128xi32, #tpu.memory_space<hbm>>) dst(%arg9 : memref<128xi32, #tpu.memory_space<vmem>>)
    %dma_start3A_96 = arith.constant 0 : i32
    %dma_start3A_97 = arith.constant 0 : i32
    %dma_start3A_98 = tpu.memref_slice %arg5[%dma_start3A_96, %dma_start3A_97] : memref<225x128xf32, #tpu.memory_space<vmem_shared>> -> memref<225x128xf32, #tpu.memory_space<vmem_shared>>
    tpu.enqueue_indirect_dma source(%dma_start3A_98 : memref<225x128xf32, #tpu.memory_space<vmem_shared>>) target(%arg13 : memref<128x128xf32, #tpu.memory_space<vmem>>) offsets(%arg9 : memref<128xi32, #tpu.memory_space<vmem>>) semaphore(%arg21 : memref<!tpu.dma_semaphore, #tpu.memory_space<semaphore_mem>>)
    %dma_wait3A_99 = arith.constant 0 : i32
    %dma_wait3A_100 = arith.constant 0 : i32
    %dma_wait3A_101 = tpu.memref_slice %arg5[%dma_wait3A_99, %dma_wait3A_100] : memref<225x128xf32, #tpu.memory_space<vmem_shared>> -> memref<225x128xf32, #tpu.memory_space<vmem_shared>>
    tpu.wait_indirect_dma semaphore(%arg20 : memref<!tpu.dma_semaphore, #tpu.memory_space<semaphore_mem>>) src(%dma_wait3A_101 : memref<225x128xf32, #tpu.memory_space<vmem_shared>>) dst(%arg12 : memref<128x128xf32, #tpu.memory_space<vmem>>)
    %add3A_102 = arith.constant 64 : i32
    %add3A_103 = arith.addi %add3A_102, %add3A : i32
    %mul3A_104 = arith.constant 128 : i32
    %mul3A_105 = arith.muli %add3A_103, %mul3A_104 : i32
    %dma_start3A_106 = arith.constant 0 : i32
    %dma_start3A_107 = tpu.memref_slice %arg4[%mul3A_105, %dma_start3A_106] : memref<320000x128xf32, #tpu.memory_space<hbm>> -> memref<128x128xf32, #tpu.memory_space<hbm>>
    %dma_start3A_108 = arith.constant 0 : i32
    %dma_start3A_109 = tpu.memref_slice %arg4[%mul3A_105, %dma_start3A_108] : memref<320000x128xf32, #tpu.memory_space<hbm>> -> memref<128x128xf32, #tpu.memory_space<hbm>>
    tpu.enqueue_dma source(%arg12 : memref<128x128xf32, #tpu.memory_space<vmem>>) target(%dma_start3A_109 : memref<128x128xf32, #tpu.memory_space<hbm>>) target_semaphore(%arg24 : memref<!tpu.dma_semaphore, #tpu.memory_space<semaphore_mem>>)
    %add3A_110 = arith.constant 192 : i32
    %add3A_111 = arith.addi %add3A_110, %add3A : i32
    %mul3A_112 = arith.constant 128 : i32
    %mul3A_113 = arith.muli %add3A_111, %mul3A_112 : i32
    %dma_start3A_114 = tpu.memref_slice %arg2[%mul3A_113] : memref<320000xi32, #tpu.memory_space<hbm>> -> memref<128xi32, #tpu.memory_space<hbm>>
    %dma_start3A_115 = tpu.memref_slice %arg2[%mul3A_113] : memref<320000xi32, #tpu.memory_space<hbm>> -> memref<128xi32, #tpu.memory_space<hbm>>
    tpu.enqueue_dma source(%dma_start3A_115 : memref<128xi32, #tpu.memory_space<hbm>>) target(%arg8 : memref<128xi32, #tpu.memory_space<vmem>>) target_semaphore(%arg16 : memref<!tpu.dma_semaphore, #tpu.memory_space<semaphore_mem>>)
    %scan3A = arith.constant 0 : i32
    %scan3A_116 = arith.constant 1 : i32
    %scan3A_117 = arith.constant 17 : i32
    %scan3A_118 = arith.addi %scan3A_116, %scan3A_117 : i32
    %scan3A_119 = arith.constant 1 : i32
    scf.for %scan3A_355 = %scan3A_116 to %scan3A_118 step %scan3A_119  : i32 {
      %mul3A_356 = arith.constant 4 : i32
      %mul3A_357 = arith.muli %scan3A_355, %mul3A_356 : i32
      %add3A_358 = arith.constant 0 : i32
      %add3A_359 = arith.addi %mul3A_357, %add3A_358 : i32
      %mul3A_360 = arith.constant 32 : i32
      %mul3A_361 = arith.muli %add3A_359, %mul3A_360 : i32
      %add3A_362 = arith.addi %mul3A_361, %add3A : i32
      %mul3A_363 = arith.constant 128 : i32
      %mul3A_364 = arith.muli %add3A_362, %mul3A_363 : i32
      %dma_wait3A_365 = tpu.memref_slice %arg2[%mul3A_364] : memref<320000xi32, #tpu.memory_space<hbm>> -> memref<128xi32, #tpu.memory_space<hbm>>
      %dma_wait3A_366 = tpu.memref_slice %arg2[%mul3A_364] : memref<320000xi32, #tpu.memory_space<hbm>> -> memref<128xi32, #tpu.memory_space<hbm>>
      tpu.wait_dma2 semaphore(%arg14 : memref<!tpu.dma_semaphore, #tpu.memory_space<semaphore_mem>>) src(%dma_wait3A_366 : memref<128xi32, #tpu.memory_space<hbm>>) dst(%arg6 : memref<128xi32, #tpu.memory_space<vmem>>)
      %sub3A = arith.constant 4 : i32
      %sub3A_367 = arith.subi %add3A_359, %sub3A : i32
      %mul3A_368 = arith.constant 32 : i32
      %mul3A_369 = arith.muli %sub3A_367, %mul3A_368 : i32
      %add3A_370 = arith.addi %mul3A_369, %add3A : i32
      %mul3A_371 = arith.constant 128 : i32
      %mul3A_372 = arith.muli %add3A_370, %mul3A_371 : i32
      %dma_wait3A_373 = arith.constant 0 : i32
      %dma_wait3A_374 = tpu.memref_slice %arg4[%mul3A_372, %dma_wait3A_373] : memref<320000x128xf32, #tpu.memory_space<hbm>> -> memref<128x128xf32, #tpu.memory_space<hbm>>
      %dma_wait3A_375 = arith.constant 0 : i32
      %dma_wait3A_376 = tpu.memref_slice %arg4[%mul3A_372, %dma_wait3A_375] : memref<320000x128xf32, #tpu.memory_space<hbm>> -> memref<128x128xf32, #tpu.memory_space<hbm>>
      tpu.wait_dma2 semaphore(%arg22 : memref<!tpu.dma_semaphore, #tpu.memory_space<semaphore_mem>>) src(%arg10 : memref<128x128xf32, #tpu.memory_space<vmem>>) dst(%dma_wait3A_376 : memref<128x128xf32, #tpu.memory_space<hbm>>)
      %dma_start3A_377 = arith.constant 0 : i32
      %dma_start3A_378 = arith.constant 0 : i32
      %dma_start3A_379 = tpu.memref_slice %arg5[%dma_start3A_377, %dma_start3A_378] : memref<225x128xf32, #tpu.memory_space<vmem_shared>> -> memref<225x128xf32, #tpu.memory_space<vmem_shared>>
      tpu.enqueue_indirect_dma source(%dma_start3A_379 : memref<225x128xf32, #tpu.memory_space<vmem_shared>>) target(%arg10 : memref<128x128xf32, #tpu.memory_space<vmem>>) offsets(%arg6 : memref<128xi32, #tpu.memory_space<vmem>>) semaphore(%arg18 : memref<!tpu.dma_semaphore, #tpu.memory_space<semaphore_mem>>)
      %dma_wait3A_380 = arith.constant 0 : i32
      %dma_wait3A_381 = arith.constant 0 : i32
      %dma_wait3A_382 = tpu.memref_slice %arg5[%dma_wait3A_380, %dma_wait3A_381] : memref<225x128xf32, #tpu.memory_space<vmem_shared>> -> memref<225x128xf32, #tpu.memory_space<vmem_shared>>
      tpu.wait_indirect_dma semaphore(%arg21 : memref<!tpu.dma_semaphore, #tpu.memory_space<semaphore_mem>>) src(%dma_wait3A_382 : memref<225x128xf32, #tpu.memory_space<vmem_shared>>) dst(%arg13 : memref<128x128xf32, #tpu.memory_space<vmem>>)
      %sub3A_383 = arith.constant 1 : i32
      %sub3A_384 = arith.subi %add3A_359, %sub3A_383 : i32
      %mul3A_385 = arith.constant 32 : i32
      %mul3A_386 = arith.muli %sub3A_384, %mul3A_385 : i32
      %add3A_387 = arith.addi %mul3A_386, %add3A : i32
      %mul3A_388 = arith.constant 128 : i32
      %mul3A_389 = arith.muli %add3A_387, %mul3A_388 : i32
      %dma_start3A_390 = arith.constant 0 : i32
      %dma_start3A_391 = tpu.memref_slice %arg4[%mul3A_389, %dma_start3A_390] : memref<320000x128xf32, #tpu.memory_space<hbm>> -> memref<128x128xf32, #tpu.memory_space<hbm>>
      %dma_start3A_392 = arith.constant 0 : i32
      %dma_start3A_393 = tpu.memref_slice %arg4[%mul3A_389, %dma_start3A_392] : memref<320000x128xf32, #tpu.memory_space<hbm>> -> memref<128x128xf32, #tpu.memory_space<hbm>>
      tpu.enqueue_dma source(%arg13 : memref<128x128xf32, #tpu.memory_space<vmem>>) target(%dma_start3A_393 : memref<128x128xf32, #tpu.memory_space<hbm>>) target_semaphore(%arg25 : memref<!tpu.dma_semaphore, #tpu.memory_space<semaphore_mem>>)
      %add3A_394 = arith.constant 4 : i32
      %add3A_395 = arith.addi %add3A_359, %add3A_394 : i32
      %sub3A_396 = arith.constant 1 : i32
      %sub3A_397 = arith.subi %add3A_395, %sub3A_396 : i32
      %mul3A_398 = arith.constant 32 : i32
      %mul3A_399 = arith.muli %sub3A_397, %mul3A_398 : i32
      %add3A_400 = arith.addi %mul3A_399, %add3A : i32
      %mul3A_401 = arith.constant 128 : i32
      %mul3A_402 = arith.muli %add3A_400, %mul3A_401 : i32
      %dma_start3A_403 = tpu.memref_slice %arg2[%mul3A_402] : memref<320000xi32, #tpu.memory_space<hbm>> -> memref<128xi32, #tpu.memory_space<hbm>>
      %dma_start3A_404 = tpu.memref_slice %arg2[%mul3A_402] : memref<320000xi32, #tpu.memory_space<hbm>> -> memref<128xi32, #tpu.memory_space<hbm>>
      tpu.enqueue_dma source(%dma_start3A_404 : memref<128xi32, #tpu.memory_space<hbm>>) target(%arg9 : memref<128xi32, #tpu.memory_space<vmem>>) target_semaphore(%arg17 : memref<!tpu.dma_semaphore, #tpu.memory_space<semaphore_mem>>)
      %mul3A_405 = arith.constant 4 : i32
      %mul3A_406 = arith.muli %scan3A_355, %mul3A_405 : i32
      %add3A_407 = arith.constant 1 : i32
      %add3A_408 = arith.addi %mul3A_406, %add3A_407 : i32
      %mul3A_409 = arith.constant 32 : i32
      %mul3A_410 = arith.muli %add3A_408, %mul3A_409 : i32
      %add3A_411 = arith.addi %mul3A_410, %add3A : i32
      %mul3A_412 = arith.constant 128 : i32
      %mul3A_413 = arith.muli %add3A_411, %mul3A_412 : i32
      %dma_wait3A_414 = tpu.memref_slice %arg2[%mul3A_413] : memref<320000xi32, #tpu.memory_space<hbm>> -> memref<128xi32, #tpu.memory_space<hbm>>
      %dma_wait3A_415 = tpu.memref_slice %arg2[%mul3A_413] : memref<320000xi32, #tpu.memory_space<hbm>> -> memref<128xi32, #tpu.memory_space<hbm>>
      tpu.wait_dma2 semaphore(%arg15 : memref<!tpu.dma_semaphore, #tpu.memory_space<semaphore_mem>>) src(%dma_wait3A_415 : memref<128xi32, #tpu.memory_space<hbm>>) dst(%arg7 : memref<128xi32, #tpu.memory_space<vmem>>)
      %sub3A_416 = arith.constant 4 : i32
      %sub3A_417 = arith.subi %add3A_408, %sub3A_416 : i32
      %mul3A_418 = arith.constant 32 : i32
      %mul3A_419 = arith.muli %sub3A_417, %mul3A_418 : i32
      %add3A_420 = arith.addi %mul3A_419, %add3A : i32
      %mul3A_421 = arith.constant 128 : i32
      %mul3A_422 = arith.muli %add3A_420, %mul3A_421 : i32
      %dma_wait3A_423 = arith.constant 0 : i32
      %dma_wait3A_424 = tpu.memref_slice %arg4[%mul3A_422, %dma_wait3A_423] : memref<320000x128xf32, #tpu.memory_space<hbm>> -> memref<128x128xf32, #tpu.memory_space<hbm>>
      %dma_wait3A_425 = arith.constant 0 : i32
      %dma_wait3A_426 = tpu.memref_slice %arg4[%mul3A_422, %dma_wait3A_425] : memref<320000x128xf32, #tpu.memory_space<hbm>> -> memref<128x128xf32, #tpu.memory_space<hbm>>
      tpu.wait_dma2 semaphore(%arg23 : memref<!tpu.dma_semaphore, #tpu.memory_space<semaphore_mem>>) src(%arg11 : memref<128x128xf32, #tpu.memory_space<vmem>>) dst(%dma_wait3A_426 : memref<128x128xf32, #tpu.memory_space<hbm>>)
      %dma_start3A_427 = arith.constant 0 : i32
      %dma_start3A_428 = arith.constant 0 : i32
      %dma_start3A_429 = tpu.memref_slice %arg5[%dma_start3A_427, %dma_start3A_428] : memref<225x128xf32, #tpu.memory_space<vmem_shared>> -> memref<225x128xf32, #tpu.memory_space<vmem_shared>>
      tpu.enqueue_indirect_dma source(%dma_start3A_429 : memref<225x128xf32, #tpu.memory_space<vmem_shared>>) target(%arg11 : memref<128x128xf32, #tpu.memory_space<vmem>>) offsets(%arg7 : memref<128xi32, #tpu.memory_space<vmem>>) semaphore(%arg19 : memref<!tpu.dma_semaphore, #tpu.memory_space<semaphore_mem>>)
      %dma_wait3A_430 = arith.constant 0 : i32
      %dma_wait3A_431 = arith.constant 0 : i32
      %dma_wait3A_432 = tpu.memref_slice %arg5[%dma_wait3A_430, %dma_wait3A_431] : memref<225x128xf32, #tpu.memory_space<vmem_shared>> -> memref<225x128xf32, #tpu.memory_space<vmem_shared>>
      tpu.wait_indirect_dma semaphore(%arg18 : memref<!tpu.dma_semaphore, #tpu.memory_space<semaphore_mem>>) src(%dma_wait3A_432 : memref<225x128xf32, #tpu.memory_space<vmem_shared>>) dst(%arg10 : memref<128x128xf32, #tpu.memory_space<vmem>>)
      %sub3A_433 = arith.constant 1 : i32
      %sub3A_434 = arith.subi %add3A_408, %sub3A_433 : i32
      %mul3A_435 = arith.constant 32 : i32
      %mul3A_436 = arith.muli %sub3A_434, %mul3A_435 : i32
      %add3A_437 = arith.addi %mul3A_436, %add3A : i32
      %mul3A_438 = arith.constant 128 : i32
      %mul3A_439 = arith.muli %add3A_437, %mul3A_438 : i32
      %dma_start3A_440 = arith.constant 0 : i32
      %dma_start3A_441 = tpu.memref_slice %arg4[%mul3A_439, %dma_start3A_440] : memref<320000x128xf32, #tpu.memory_space<hbm>> -> memref<128x128xf32, #tpu.memory_space<hbm>>
      %dma_start3A_442 = arith.constant 0 : i32
      %dma_start3A_443 = tpu.memref_slice %arg4[%mul3A_439, %dma_start3A_442] : memref<320000x128xf32, #tpu.memory_space<hbm>> -> memref<128x128xf32, #tpu.memory_space<hbm>>
      tpu.enqueue_dma source(%arg10 : memref<128x128xf32, #tpu.memory_space<vmem>>) target(%dma_start3A_443 : memref<128x128xf32, #tpu.memory_space<hbm>>) target_semaphore(%arg22 : memref<!tpu.dma_semaphore, #tpu.memory_space<semaphore_mem>>)
      %add3A_444 = arith.constant 4 : i32
      %add3A_445 = arith.addi %add3A_408, %add3A_444 : i32
      %sub3A_446 = arith.constant 1 : i32
      %sub3A_447 = arith.subi %add3A_445, %sub3A_446 : i32
      %mul3A_448 = arith.constant 32 : i32
      %mul3A_449 = arith.muli %sub3A_447, %mul3A_448 : i32
      %add3A_450 = arith.addi %mul3A_449, %add3A : i32
      %mul3A_451 = arith.constant 128 : i32
      %mul3A_452 = arith.muli %add3A_450, %mul3A_451 : i32
      %dma_start3A_453 = tpu.memref_slice %arg2[%mul3A_452] : memref<320000xi32, #tpu.memory_space<hbm>> -> memref<128xi32, #tpu.memory_space<hbm>>
      %dma_start3A_454 = tpu.memref_slice %arg2[%mul3A_452] : memref<320000xi32, #tpu.memory_space<hbm>> -> memref<128xi32, #tpu.memory_space<hbm>>
      tpu.enqueue_dma source(%dma_start3A_454 : memref<128xi32, #tpu.memory_space<hbm>>) target(%arg6 : memref<128xi32, #tpu.memory_space<vmem>>) target_semaphore(%arg14 : memref<!tpu.dma_semaphore, #tpu.memory_space<semaphore_mem>>)
      %mul3A_455 = arith.constant 4 : i32
      %mul3A_456 = arith.muli %scan3A_355, %mul3A_455 : i32
      %add3A_457 = arith.constant 2 : i32
      %add3A_458 = arith.addi %mul3A_456, %add3A_457 : i32
      %mul3A_459 = arith.constant 32 : i32
      %mul3A_460 = arith.muli %add3A_458, %mul3A_459 : i32
      %add3A_461 = arith.addi %mul3A_460, %add3A : i32
      %mul3A_462 = arith.constant 128 : i32
      %mul3A_463 = arith.muli %add3A_461, %mul3A_462 : i32
      %dma_wait3A_464 = tpu.memref_slice %arg2[%mul3A_463] : memref<320000xi32, #tpu.memory_space<hbm>> -> memref<128xi32, #tpu.memory_space<hbm>>
      %dma_wait3A_465 = tpu.memref_slice %arg2[%mul3A_463] : memref<320000xi32, #tpu.memory_space<hbm>> -> memref<128xi32, #tpu.memory_space<hbm>>
      tpu.wait_dma2 semaphore(%arg16 : memref<!tpu.dma_semaphore, #tpu.memory_space<semaphore_mem>>) src(%dma_wait3A_465 : memref<128xi32, #tpu.memory_space<hbm>>) dst(%arg8 : memref<128xi32, #tpu.memory_space<vmem>>)
      %sub3A_466 = arith.constant 4 : i32
      %sub3A_467 = arith.subi %add3A_458, %sub3A_466 : i32
      %mul3A_468 = arith.constant 32 : i32
      %mul3A_469 = arith.muli %sub3A_467, %mul3A_468 : i32
      %add3A_470 = arith.addi %mul3A_469, %add3A : i32
      %mul3A_471 = arith.constant 128 : i32
      %mul3A_472 = arith.muli %add3A_470, %mul3A_471 : i32
      %dma_wait3A_473 = arith.constant 0 : i32
      %dma_wait3A_474 = tpu.memref_slice %arg4[%mul3A_472, %dma_wait3A_473] : memref<320000x128xf32, #tpu.memory_space<hbm>> -> memref<128x128xf32, #tpu.memory_space<hbm>>
      %dma_wait3A_475 = arith.constant 0 : i32
      %dma_wait3A_476 = tpu.memref_slice %arg4[%mul3A_472, %dma_wait3A_475] : memref<320000x128xf32, #tpu.memory_space<hbm>> -> memref<128x128xf32, #tpu.memory_space<hbm>>
      tpu.wait_dma2 semaphore(%arg24 : memref<!tpu.dma_semaphore, #tpu.memory_space<semaphore_mem>>) src(%arg12 : memref<128x128xf32, #tpu.memory_space<vmem>>) dst(%dma_wait3A_476 : memref<128x128xf32, #tpu.memory_space<hbm>>)
      %dma_start3A_477 = arith.constant 0 : i32
      %dma_start3A_478 = arith.constant 0 : i32
      %dma_start3A_479 = tpu.memref_slice %arg5[%dma_start3A_477, %dma_start3A_478] : memref<225x128xf32, #tpu.memory_space<vmem_shared>> -> memref<225x128xf32, #tpu.memory_space<vmem_shared>>
      tpu.enqueue_indirect_dma source(%dma_start3A_479 : memref<225x128xf32, #tpu.memory_space<vmem_shared>>) target(%arg12 : memref<128x128xf32, #tpu.memory_space<vmem>>) offsets(%arg8 : memref<128xi32, #tpu.memory_space<vmem>>) semaphore(%arg20 : memref<!tpu.dma_semaphore, #tpu.memory_space<semaphore_mem>>)
      %dma_wait3A_480 = arith.constant 0 : i32
      %dma_wait3A_481 = arith.constant 0 : i32
      %dma_wait3A_482 = tpu.memref_slice %arg5[%dma_wait3A_480, %dma_wait3A_481] : memref<225x128xf32, #tpu.memory_space<vmem_shared>> -> memref<225x128xf32, #tpu.memory_space<vmem_shared>>
      tpu.wait_indirect_dma semaphore(%arg19 : memref<!tpu.dma_semaphore, #tpu.memory_space<semaphore_mem>>) src(%dma_wait3A_482 : memref<225x128xf32, #tpu.memory_space<vmem_shared>>) dst(%arg11 : memref<128x128xf32, #tpu.memory_space<vmem>>)
      %sub3A_483 = arith.constant 1 : i32
      %sub3A_484 = arith.subi %add3A_458, %sub3A_483 : i32
      %mul3A_485 = arith.constant 32 : i32
      %mul3A_486 = arith.muli %sub3A_484, %mul3A_485 : i32
      %add3A_487 = arith.addi %mul3A_486, %add3A : i32
      %mul3A_488 = arith.constant 128 : i32
      %mul3A_489 = arith.muli %add3A_487, %mul3A_488 : i32
      %dma_start3A_490 = arith.constant 0 : i32
      %dma_start3A_491 = tpu.memref_slice %arg4[%mul3A_489, %dma_start3A_490] : memref<320000x128xf32, #tpu.memory_space<hbm>> -> memref<128x128xf32, #tpu.memory_space<hbm>>
      %dma_start3A_492 = arith.constant 0 : i32
      %dma_start3A_493 = tpu.memref_slice %arg4[%mul3A_489, %dma_start3A_492] : memref<320000x128xf32, #tpu.memory_space<hbm>> -> memref<128x128xf32, #tpu.memory_space<hbm>>
      tpu.enqueue_dma source(%arg11 : memref<128x128xf32, #tpu.memory_space<vmem>>) target(%dma_start3A_493 : memref<128x128xf32, #tpu.memory_space<hbm>>) target_semaphore(%arg23 : memref<!tpu.dma_semaphore, #tpu.memory_space<semaphore_mem>>)
      %add3A_494 = arith.constant 4 : i32
      %add3A_495 = arith.addi %add3A_458, %add3A_494 : i32
      %sub3A_496 = arith.constant 1 : i32
      %sub3A_497 = arith.subi %add3A_495, %sub3A_496 : i32
      %mul3A_498 = arith.constant 32 : i32
      %mul3A_499 = arith.muli %sub3A_497, %mul3A_498 : i32
      %add3A_500 = arith.addi %mul3A_499, %add3A : i32
      %mul3A_501 = arith.constant 128 : i32
      %mul3A_502 = arith.muli %add3A_500, %mul3A_501 : i32
      %dma_start3A_503 = tpu.memref_slice %arg2[%mul3A_502] : memref<320000xi32, #tpu.memory_space<hbm>> -> memref<128xi32, #tpu.memory_space<hbm>>
      %dma_start3A_504 = tpu.memref_slice %arg2[%mul3A_502] : memref<320000xi32, #tpu.memory_space<hbm>> -> memref<128xi32, #tpu.memory_space<hbm>>
      tpu.enqueue_dma source(%dma_start3A_504 : memref<128xi32, #tpu.memory_space<hbm>>) target(%arg7 : memref<128xi32, #tpu.memory_space<vmem>>) target_semaphore(%arg15 : memref<!tpu.dma_semaphore, #tpu.memory_space<semaphore_mem>>)
      %mul3A_505 = arith.constant 4 : i32
      %mul3A_506 = arith.muli %scan3A_355, %mul3A_505 : i32
      %add3A_507 = arith.constant 3 : i32
      %add3A_508 = arith.addi %mul3A_506, %add3A_507 : i32
      %mul3A_509 = arith.constant 32 : i32
      %mul3A_510 = arith.muli %add3A_508, %mul3A_509 : i32
      %add3A_511 = arith.addi %mul3A_510, %add3A : i32
      %mul3A_512 = arith.constant 128 : i32
      %mul3A_513 = arith.muli %add3A_511, %mul3A_512 : i32
      %dma_wait3A_514 = tpu.memref_slice %arg2[%mul3A_513] : memref<320000xi32, #tpu.memory_space<hbm>> -> memref<128xi32, #tpu.memory_space<hbm>>
      %dma_wait3A_515 = tpu.memref_slice %arg2[%mul3A_513] : memref<320000xi32, #tpu.memory_space<hbm>> -> memref<128xi32, #tpu.memory_space<hbm>>
      tpu.wait_dma2 semaphore(%arg17 : memref<!tpu.dma_semaphore, #tpu.memory_space<semaphore_mem>>) src(%dma_wait3A_515 : memref<128xi32, #tpu.memory_space<hbm>>) dst(%arg9 : memref<128xi32, #tpu.memory_space<vmem>>)
      %sub3A_516 = arith.constant 4 : i32
      %sub3A_517 = arith.subi %add3A_508, %sub3A_516 : i32
      %mul3A_518 = arith.constant 32 : i32
      %mul3A_519 = arith.muli %sub3A_517, %mul3A_518 : i32
      %add3A_520 = arith.addi %mul3A_519, %add3A : i32
      %mul3A_521 = arith.constant 128 : i32
      %mul3A_522 = arith.muli %add3A_520, %mul3A_521 : i32
      %dma_wait3A_523 = arith.constant 0 : i32
      %dma_wait3A_524 = tpu.memref_slice %arg4[%mul3A_522, %dma_wait3A_523] : memref<320000x128xf32, #tpu.memory_space<hbm>> -> memref<128x128xf32, #tpu.memory_space<hbm>>
      %dma_wait3A_525 = arith.constant 0 : i32
      %dma_wait3A_526 = tpu.memref_slice %arg4[%mul3A_522, %dma_wait3A_525] : memref<320000x128xf32, #tpu.memory_space<hbm>> -> memref<128x128xf32, #tpu.memory_space<hbm>>
      tpu.wait_dma2 semaphore(%arg25 : memref<!tpu.dma_semaphore, #tpu.memory_space<semaphore_mem>>) src(%arg13 : memref<128x128xf32, #tpu.memory_space<vmem>>) dst(%dma_wait3A_526 : memref<128x128xf32, #tpu.memory_space<hbm>>)
      %dma_start3A_527 = arith.constant 0 : i32
      %dma_start3A_528 = arith.constant 0 : i32
      %dma_start3A_529 = tpu.memref_slice %arg5[%dma_start3A_527, %dma_start3A_528] : memref<225x128xf32, #tpu.memory_space<vmem_shared>> -> memref<225x128xf32, #tpu.memory_space<vmem_shared>>
      tpu.enqueue_indirect_dma source(%dma_start3A_529 : memref<225x128xf32, #tpu.memory_space<vmem_shared>>) target(%arg13 : memref<128x128xf32, #tpu.memory_space<vmem>>) offsets(%arg9 : memref<128xi32, #tpu.memory_space<vmem>>) semaphore(%arg21 : memref<!tpu.dma_semaphore, #tpu.memory_space<semaphore_mem>>)
      %dma_wait3A_530 = arith.constant 0 : i32
      %dma_wait3A_531 = arith.constant 0 : i32
      %dma_wait3A_532 = tpu.memref_slice %arg5[%dma_wait3A_530, %dma_wait3A_531] : memref<225x128xf32, #tpu.memory_space<vmem_shared>> -> memref<225x128xf32, #tpu.memory_space<vmem_shared>>
      tpu.wait_indirect_dma semaphore(%arg20 : memref<!tpu.dma_semaphore, #tpu.memory_space<semaphore_mem>>) src(%dma_wait3A_532 : memref<225x128xf32, #tpu.memory_space<vmem_shared>>) dst(%arg12 : memref<128x128xf32, #tpu.memory_space<vmem>>)
      %sub3A_533 = arith.constant 1 : i32
      %sub3A_534 = arith.subi %add3A_508, %sub3A_533 : i32
      %mul3A_535 = arith.constant 32 : i32
      %mul3A_536 = arith.muli %sub3A_534, %mul3A_535 : i32
      %add3A_537 = arith.addi %mul3A_536, %add3A : i32
      %mul3A_538 = arith.constant 128 : i32
      %mul3A_539 = arith.muli %add3A_537, %mul3A_538 : i32
      %dma_start3A_540 = arith.constant 0 : i32
      %dma_start3A_541 = tpu.memref_slice %arg4[%mul3A_539, %dma_start3A_540] : memref<320000x128xf32, #tpu.memory_space<hbm>> -> memref<128x128xf32, #tpu.memory_space<hbm>>
      %dma_start3A_542 = arith.constant 0 : i32
      %dma_start3A_543 = tpu.memref_slice %arg4[%mul3A_539, %dma_start3A_542] : memref<320000x128xf32, #tpu.memory_space<hbm>> -> memref<128x128xf32, #tpu.memory_space<hbm>>
      tpu.enqueue_dma source(%arg12 : memref<128x128xf32, #tpu.memory_space<vmem>>) target(%dma_start3A_543 : memref<128x128xf32, #tpu.memory_space<hbm>>) target_semaphore(%arg24 : memref<!tpu.dma_semaphore, #tpu.memory_space<semaphore_mem>>)
      %add3A_544 = arith.constant 4 : i32
      %add3A_545 = arith.addi %add3A_508, %add3A_544 : i32
      %sub3A_546 = arith.constant 1 : i32
      %sub3A_547 = arith.subi %add3A_545, %sub3A_546 : i32
      %mul3A_548 = arith.constant 32 : i32
      %mul3A_549 = arith.muli %sub3A_547, %mul3A_548 : i32
      %add3A_550 = arith.addi %mul3A_549, %add3A : i32
      %mul3A_551 = arith.constant 128 : i32
      %mul3A_552 = arith.muli %add3A_550, %mul3A_551 : i32
      %dma_start3A_553 = tpu.memref_slice %arg2[%mul3A_552] : memref<320000xi32, #tpu.memory_space<hbm>> -> memref<128xi32, #tpu.memory_space<hbm>>
      %dma_start3A_554 = tpu.memref_slice %arg2[%mul3A_552] : memref<320000xi32, #tpu.memory_space<hbm>> -> memref<128xi32, #tpu.memory_space<hbm>>
      tpu.enqueue_dma source(%dma_start3A_554 : memref<128xi32, #tpu.memory_space<hbm>>) target(%arg8 : memref<128xi32, #tpu.memory_space<vmem>>) target_semaphore(%arg16 : memref<!tpu.dma_semaphore, #tpu.memory_space<semaphore_mem>>)
    }
    %scan3A_120 = arith.constant 17 : i32
    %add3A_121 = arith.constant 2304 : i32
    %add3A_122 = arith.addi %add3A_121, %add3A : i32
    %mul3A_123 = arith.constant 128 : i32
    %mul3A_124 = arith.muli %add3A_122, %mul3A_123 : i32
    %dma_wait3A_125 = tpu.memref_slice %arg2[%mul3A_124] : memref<320000xi32, #tpu.memory_space<hbm>> -> memref<128xi32, #tpu.memory_space<hbm>>
    %dma_wait3A_126 = tpu.memref_slice %arg2[%mul3A_124] : memref<320000xi32, #tpu.memory_space<hbm>> -> memref<128xi32, #tpu.memory_space<hbm>>
    tpu.wait_dma2 semaphore(%arg14 : memref<!tpu.dma_semaphore, #tpu.memory_space<semaphore_mem>>) src(%dma_wait3A_126 : memref<128xi32, #tpu.memory_space<hbm>>) dst(%arg6 : memref<128xi32, #tpu.memory_space<vmem>>)
    %add3A_127 = arith.constant 2176 : i32
    %add3A_128 = arith.addi %add3A_127, %add3A : i32
    %mul3A_129 = arith.constant 128 : i32
    %mul3A_130 = arith.muli %add3A_128, %mul3A_129 : i32
    %dma_wait3A_131 = arith.constant 0 : i32
    %dma_wait3A_132 = tpu.memref_slice %arg4[%mul3A_130, %dma_wait3A_131] : memref<320000x128xf32, #tpu.memory_space<hbm>> -> memref<128x128xf32, #tpu.memory_space<hbm>>
    %dma_wait3A_133 = arith.constant 0 : i32
    %dma_wait3A_134 = tpu.memref_slice %arg4[%mul3A_130, %dma_wait3A_133] : memref<320000x128xf32, #tpu.memory_space<hbm>> -> memref<128x128xf32, #tpu.memory_space<hbm>>
    tpu.wait_dma2 semaphore(%arg22 : memref<!tpu.dma_semaphore, #tpu.memory_space<semaphore_mem>>) src(%arg10 : memref<128x128xf32, #tpu.memory_space<vmem>>) dst(%dma_wait3A_134 : memref<128x128xf32, #tpu.memory_space<hbm>>)
    %dma_start3A_135 = arith.constant 0 : i32
    %dma_start3A_136 = arith.constant 0 : i32
    %dma_start3A_137 = tpu.memref_slice %arg5[%dma_start3A_135, %dma_start3A_136] : memref<225x128xf32, #tpu.memory_space<vmem_shared>> -> memref<225x128xf32, #tpu.memory_space<vmem_shared>>
    tpu.enqueue_indirect_dma source(%dma_start3A_137 : memref<225x128xf32, #tpu.memory_space<vmem_shared>>) target(%arg10 : memref<128x128xf32, #tpu.memory_space<vmem>>) offsets(%arg6 : memref<128xi32, #tpu.memory_space<vmem>>) semaphore(%arg18 : memref<!tpu.dma_semaphore, #tpu.memory_space<semaphore_mem>>)
    %dma_wait3A_138 = arith.constant 0 : i32
    %dma_wait3A_139 = arith.constant 0 : i32
    %dma_wait3A_140 = tpu.memref_slice %arg5[%dma_wait3A_138, %dma_wait3A_139] : memref<225x128xf32, #tpu.memory_space<vmem_shared>> -> memref<225x128xf32, #tpu.memory_space<vmem_shared>>
    tpu.wait_indirect_dma semaphore(%arg21 : memref<!tpu.dma_semaphore, #tpu.memory_space<semaphore_mem>>) src(%dma_wait3A_140 : memref<225x128xf32, #tpu.memory_space<vmem_shared>>) dst(%arg13 : memref<128x128xf32, #tpu.memory_space<vmem>>)
    %add3A_141 = arith.constant 2272 : i32
    %add3A_142 = arith.addi %add3A_141, %add3A : i32
    %mul3A_143 = arith.constant 128 : i32
    %mul3A_144 = arith.muli %add3A_142, %mul3A_143 : i32
    %dma_start3A_145 = arith.constant 0 : i32
    %dma_start3A_146 = tpu.memref_slice %arg4[%mul3A_144, %dma_start3A_145] : memref<320000x128xf32, #tpu.memory_space<hbm>> -> memref<128x128xf32, #tpu.memory_space<hbm>>
    %dma_start3A_147 = arith.constant 0 : i32
    %dma_start3A_148 = tpu.memref_slice %arg4[%mul3A_144, %dma_start3A_147] : memref<320000x128xf32, #tpu.memory_space<hbm>> -> memref<128x128xf32, #tpu.memory_space<hbm>>
    tpu.enqueue_dma source(%arg13 : memref<128x128xf32, #tpu.memory_space<vmem>>) target(%dma_start3A_148 : memref<128x128xf32, #tpu.memory_space<hbm>>) target_semaphore(%arg25 : memref<!tpu.dma_semaphore, #tpu.memory_space<semaphore_mem>>)
    %add3A_149 = arith.constant 2400 : i32
    %add3A_150 = arith.addi %add3A_149, %add3A : i32
    %mul3A_151 = arith.constant 128 : i32
    %mul3A_152 = arith.muli %add3A_150, %mul3A_151 : i32
    %dma_start3A_153 = tpu.memref_slice %arg2[%mul3A_152] : memref<320000xi32, #tpu.memory_space<hbm>> -> memref<128xi32, #tpu.memory_space<hbm>>
    %dma_start3A_154 = tpu.memref_slice %arg2[%mul3A_152] : memref<320000xi32, #tpu.memory_space<hbm>> -> memref<128xi32, #tpu.memory_space<hbm>>
    tpu.enqueue_dma source(%dma_start3A_154 : memref<128xi32, #tpu.memory_space<hbm>>) target(%arg9 : memref<128xi32, #tpu.memory_space<vmem>>) target_semaphore(%arg17 : memref<!tpu.dma_semaphore, #tpu.memory_space<semaphore_mem>>)
    %add3A_155 = arith.constant 2336 : i32
    %add3A_156 = arith.addi %add3A_155, %add3A : i32
    %mul3A_157 = arith.constant 128 : i32
    %mul3A_158 = arith.muli %add3A_156, %mul3A_157 : i32
    %dma_wait3A_159 = tpu.memref_slice %arg2[%mul3A_158] : memref<320000xi32, #tpu.memory_space<hbm>> -> memref<128xi32, #tpu.memory_space<hbm>>
    %dma_wait3A_160 = tpu.memref_slice %arg2[%mul3A_158] : memref<320000xi32, #tpu.memory_space<hbm>> -> memref<128xi32, #tpu.memory_space<hbm>>
    tpu.wait_dma2 semaphore(%arg15 : memref<!tpu.dma_semaphore, #tpu.memory_space<semaphore_mem>>) src(%dma_wait3A_160 : memref<128xi32, #tpu.memory_space<hbm>>) dst(%arg7 : memref<128xi32, #tpu.memory_space<vmem>>)
    %add3A_161 = arith.constant 2208 : i32
    %add3A_162 = arith.addi %add3A_161, %add3A : i32
    %mul3A_163 = arith.constant 128 : i32
    %mul3A_164 = arith.muli %add3A_162, %mul3A_163 : i32
    %dma_wait3A_165 = arith.constant 0 : i32
    %dma_wait3A_166 = tpu.memref_slice %arg4[%mul3A_164, %dma_wait3A_165] : memref<320000x128xf32, #tpu.memory_space<hbm>> -> memref<128x128xf32, #tpu.memory_space<hbm>>
    %dma_wait3A_167 = arith.constant 0 : i32
    %dma_wait3A_168 = tpu.memref_slice %arg4[%mul3A_164, %dma_wait3A_167] : memref<320000x128xf32, #tpu.memory_space<hbm>> -> memref<128x128xf32, #tpu.memory_space<hbm>>
    tpu.wait_dma2 semaphore(%arg23 : memref<!tpu.dma_semaphore, #tpu.memory_space<semaphore_mem>>) src(%arg11 : memref<128x128xf32, #tpu.memory_space<vmem>>) dst(%dma_wait3A_168 : memref<128x128xf32, #tpu.memory_space<hbm>>)
    %dma_start3A_169 = arith.constant 0 : i32
    %dma_start3A_170 = arith.constant 0 : i32
    %dma_start3A_171 = tpu.memref_slice %arg5[%dma_start3A_169, %dma_start3A_170] : memref<225x128xf32, #tpu.memory_space<vmem_shared>> -> memref<225x128xf32, #tpu.memory_space<vmem_shared>>
    tpu.enqueue_indirect_dma source(%dma_start3A_171 : memref<225x128xf32, #tpu.memory_space<vmem_shared>>) target(%arg11 : memref<128x128xf32, #tpu.memory_space<vmem>>) offsets(%arg7 : memref<128xi32, #tpu.memory_space<vmem>>) semaphore(%arg19 : memref<!tpu.dma_semaphore, #tpu.memory_space<semaphore_mem>>)
    %dma_wait3A_172 = arith.constant 0 : i32
    %dma_wait3A_173 = arith.constant 0 : i32
    %dma_wait3A_174 = tpu.memref_slice %arg5[%dma_wait3A_172, %dma_wait3A_173] : memref<225x128xf32, #tpu.memory_space<vmem_shared>> -> memref<225x128xf32, #tpu.memory_space<vmem_shared>>
    tpu.wait_indirect_dma semaphore(%arg18 : memref<!tpu.dma_semaphore, #tpu.memory_space<semaphore_mem>>) src(%dma_wait3A_174 : memref<225x128xf32, #tpu.memory_space<vmem_shared>>) dst(%arg10 : memref<128x128xf32, #tpu.memory_space<vmem>>)
    %add3A_175 = arith.constant 2304 : i32
    %add3A_176 = arith.addi %add3A_175, %add3A : i32
    %mul3A_177 = arith.constant 128 : i32
    %mul3A_178 = arith.muli %add3A_176, %mul3A_177 : i32
    %dma_start3A_179 = arith.constant 0 : i32
    %dma_start3A_180 = tpu.memref_slice %arg4[%mul3A_178, %dma_start3A_179] : memref<320000x128xf32, #tpu.memory_space<hbm>> -> memref<128x128xf32, #tpu.memory_space<hbm>>
    %dma_start3A_181 = arith.constant 0 : i32
    %dma_start3A_182 = tpu.memref_slice %arg4[%mul3A_178, %dma_start3A_181] : memref<320000x128xf32, #tpu.memory_space<hbm>> -> memref<128x128xf32, #tpu.memory_space<hbm>>
    tpu.enqueue_dma source(%arg10 : memref<128x128xf32, #tpu.memory_space<vmem>>) target(%dma_start3A_182 : memref<128x128xf32, #tpu.memory_space<hbm>>) target_semaphore(%arg22 : memref<!tpu.dma_semaphore, #tpu.memory_space<semaphore_mem>>)
    %add3A_183 = arith.constant 2432 : i32
    %add3A_184 = arith.addi %add3A_183, %add3A : i32
    %mul3A_185 = arith.constant 128 : i32
    %mul3A_186 = arith.muli %add3A_184, %mul3A_185 : i32
    %dma_start3A_187 = tpu.memref_slice %arg2[%mul3A_186] : memref<320000xi32, #tpu.memory_space<hbm>> -> memref<128xi32, #tpu.memory_space<hbm>>
    %dma_start3A_188 = tpu.memref_slice %arg2[%mul3A_186] : memref<320000xi32, #tpu.memory_space<hbm>> -> memref<128xi32, #tpu.memory_space<hbm>>
    tpu.enqueue_dma source(%dma_start3A_188 : memref<128xi32, #tpu.memory_space<hbm>>) target(%arg6 : memref<128xi32, #tpu.memory_space<vmem>>) target_semaphore(%arg14 : memref<!tpu.dma_semaphore, #tpu.memory_space<semaphore_mem>>)
    %add3A_189 = arith.constant 2368 : i32
    %add3A_190 = arith.addi %add3A_189, %add3A : i32
    %mul3A_191 = arith.constant 128 : i32
    %mul3A_192 = arith.muli %add3A_190, %mul3A_191 : i32
    %dma_wait3A_193 = tpu.memref_slice %arg2[%mul3A_192] : memref<320000xi32, #tpu.memory_space<hbm>> -> memref<128xi32, #tpu.memory_space<hbm>>
    %dma_wait3A_194 = tpu.memref_slice %arg2[%mul3A_192] : memref<320000xi32, #tpu.memory_space<hbm>> -> memref<128xi32, #tpu.memory_space<hbm>>
    tpu.wait_dma2 semaphore(%arg16 : memref<!tpu.dma_semaphore, #tpu.memory_space<semaphore_mem>>) src(%dma_wait3A_194 : memref<128xi32, #tpu.memory_space<hbm>>) dst(%arg8 : memref<128xi32, #tpu.memory_space<vmem>>)
    %add3A_195 = arith.constant 2240 : i32
    %add3A_196 = arith.addi %add3A_195, %add3A : i32
    %mul3A_197 = arith.constant 128 : i32
    %mul3A_198 = arith.muli %add3A_196, %mul3A_197 : i32
    %dma_wait3A_199 = arith.constant 0 : i32
    %dma_wait3A_200 = tpu.memref_slice %arg4[%mul3A_198, %dma_wait3A_199] : memref<320000x128xf32, #tpu.memory_space<hbm>> -> memref<128x128xf32, #tpu.memory_space<hbm>>
    %dma_wait3A_201 = arith.constant 0 : i32
    %dma_wait3A_202 = tpu.memref_slice %arg4[%mul3A_198, %dma_wait3A_201] : memref<320000x128xf32, #tpu.memory_space<hbm>> -> memref<128x128xf32, #tpu.memory_space<hbm>>
    tpu.wait_dma2 semaphore(%arg24 : memref<!tpu.dma_semaphore, #tpu.memory_space<semaphore_mem>>) src(%arg12 : memref<128x128xf32, #tpu.memory_space<vmem>>) dst(%dma_wait3A_202 : memref<128x128xf32, #tpu.memory_space<hbm>>)
    %dma_start3A_203 = arith.constant 0 : i32
    %dma_start3A_204 = arith.constant 0 : i32
    %dma_start3A_205 = tpu.memref_slice %arg5[%dma_start3A_203, %dma_start3A_204] : memref<225x128xf32, #tpu.memory_space<vmem_shared>> -> memref<225x128xf32, #tpu.memory_space<vmem_shared>>
    tpu.enqueue_indirect_dma source(%dma_start3A_205 : memref<225x128xf32, #tpu.memory_space<vmem_shared>>) target(%arg12 : memref<128x128xf32, #tpu.memory_space<vmem>>) offsets(%arg8 : memref<128xi32, #tpu.memory_space<vmem>>) semaphore(%arg20 : memref<!tpu.dma_semaphore, #tpu.memory_space<semaphore_mem>>)
    %dma_wait3A_206 = arith.constant 0 : i32
    %dma_wait3A_207 = arith.constant 0 : i32
    %dma_wait3A_208 = tpu.memref_slice %arg5[%dma_wait3A_206, %dma_wait3A_207] : memref<225x128xf32, #tpu.memory_space<vmem_shared>> -> memref<225x128xf32, #tpu.memory_space<vmem_shared>>
    tpu.wait_indirect_dma semaphore(%arg19 : memref<!tpu.dma_semaphore, #tpu.memory_space<semaphore_mem>>) src(%dma_wait3A_208 : memref<225x128xf32, #tpu.memory_space<vmem_shared>>) dst(%arg11 : memref<128x128xf32, #tpu.memory_space<vmem>>)
    %add3A_209 = arith.constant 2336 : i32
    %add3A_210 = arith.addi %add3A_209, %add3A : i32
    %mul3A_211 = arith.constant 128 : i32
    %mul3A_212 = arith.muli %add3A_210, %mul3A_211 : i32
    %dma_start3A_213 = arith.constant 0 : i32
    %dma_start3A_214 = tpu.memref_slice %arg4[%mul3A_212, %dma_start3A_213] : memref<320000x128xf32, #tpu.memory_space<hbm>> -> memref<128x128xf32, #tpu.memory_space<hbm>>
    %dma_start3A_215 = arith.constant 0 : i32
    %dma_start3A_216 = tpu.memref_slice %arg4[%mul3A_212, %dma_start3A_215] : memref<320000x128xf32, #tpu.memory_space<hbm>> -> memref<128x128xf32, #tpu.memory_space<hbm>>
    tpu.enqueue_dma source(%arg11 : memref<128x128xf32, #tpu.memory_space<vmem>>) target(%dma_start3A_216 : memref<128x128xf32, #tpu.memory_space<hbm>>) target_semaphore(%arg23 : memref<!tpu.dma_semaphore, #tpu.memory_space<semaphore_mem>>)
    %add3A_217 = arith.constant 2464 : i32
    %add3A_218 = arith.addi %add3A_217, %add3A : i32
    %mul3A_219 = arith.constant 128 : i32
    %mul3A_220 = arith.muli %add3A_218, %mul3A_219 : i32
    %dma_start3A_221 = tpu.memref_slice %arg2[%mul3A_220] : memref<320000xi32, #tpu.memory_space<hbm>> -> memref<128xi32, #tpu.memory_space<hbm>>
    %dma_start3A_222 = tpu.memref_slice %arg2[%mul3A_220] : memref<320000xi32, #tpu.memory_space<hbm>> -> memref<128xi32, #tpu.memory_space<hbm>>
    tpu.enqueue_dma source(%dma_start3A_222 : memref<128xi32, #tpu.memory_space<hbm>>) target(%arg7 : memref<128xi32, #tpu.memory_space<vmem>>) target_semaphore(%arg15 : memref<!tpu.dma_semaphore, #tpu.memory_space<semaphore_mem>>)
    %add3A_223 = arith.constant 2400 : i32
    %add3A_224 = arith.addi %add3A_223, %add3A : i32
    %mul3A_225 = arith.constant 128 : i32
    %mul3A_226 = arith.muli %add3A_224, %mul3A_225 : i32
    %dma_wait3A_227 = tpu.memref_slice %arg2[%mul3A_226] : memref<320000xi32, #tpu.memory_space<hbm>> -> memref<128xi32, #tpu.memory_space<hbm>>
    %dma_wait3A_228 = tpu.memref_slice %arg2[%mul3A_226] : memref<320000xi32, #tpu.memory_space<hbm>> -> memref<128xi32, #tpu.memory_space<hbm>>
    tpu.wait_dma2 semaphore(%arg17 : memref<!tpu.dma_semaphore, #tpu.memory_space<semaphore_mem>>) src(%dma_wait3A_228 : memref<128xi32, #tpu.memory_space<hbm>>) dst(%arg9 : memref<128xi32, #tpu.memory_space<vmem>>)
    %add3A_229 = arith.constant 2272 : i32
    %add3A_230 = arith.addi %add3A_229, %add3A : i32
    %mul3A_231 = arith.constant 128 : i32
    %mul3A_232 = arith.muli %add3A_230, %mul3A_231 : i32
    %dma_wait3A_233 = arith.constant 0 : i32
    %dma_wait3A_234 = tpu.memref_slice %arg4[%mul3A_232, %dma_wait3A_233] : memref<320000x128xf32, #tpu.memory_space<hbm>> -> memref<128x128xf32, #tpu.memory_space<hbm>>
    %dma_wait3A_235 = arith.constant 0 : i32
    %dma_wait3A_236 = tpu.memref_slice %arg4[%mul3A_232, %dma_wait3A_235] : memref<320000x128xf32, #tpu.memory_space<hbm>> -> memref<128x128xf32, #tpu.memory_space<hbm>>
    tpu.wait_dma2 semaphore(%arg25 : memref<!tpu.dma_semaphore, #tpu.memory_space<semaphore_mem>>) src(%arg13 : memref<128x128xf32, #tpu.memory_space<vmem>>) dst(%dma_wait3A_236 : memref<128x128xf32, #tpu.memory_space<hbm>>)
    %dma_start3A_237 = arith.constant 0 : i32
    %dma_start3A_238 = arith.constant 0 : i32
    %dma_start3A_239 = tpu.memref_slice %arg5[%dma_start3A_237, %dma_start3A_238] : memref<225x128xf32, #tpu.memory_space<vmem_shared>> -> memref<225x128xf32, #tpu.memory_space<vmem_shared>>
    tpu.enqueue_indirect_dma source(%dma_start3A_239 : memref<225x128xf32, #tpu.memory_space<vmem_shared>>) target(%arg13 : memref<128x128xf32, #tpu.memory_space<vmem>>) offsets(%arg9 : memref<128xi32, #tpu.memory_space<vmem>>) semaphore(%arg21 : memref<!tpu.dma_semaphore, #tpu.memory_space<semaphore_mem>>)
    %dma_wait3A_240 = arith.constant 0 : i32
    %dma_wait3A_241 = arith.constant 0 : i32
    %dma_wait3A_242 = tpu.memref_slice %arg5[%dma_wait3A_240, %dma_wait3A_241] : memref<225x128xf32, #tpu.memory_space<vmem_shared>> -> memref<225x128xf32, #tpu.memory_space<vmem_shared>>
    tpu.wait_indirect_dma semaphore(%arg20 : memref<!tpu.dma_semaphore, #tpu.memory_space<semaphore_mem>>) src(%dma_wait3A_242 : memref<225x128xf32, #tpu.memory_space<vmem_shared>>) dst(%arg12 : memref<128x128xf32, #tpu.memory_space<vmem>>)
    %add3A_243 = arith.constant 2368 : i32
    %add3A_244 = arith.addi %add3A_243, %add3A : i32
    %mul3A_245 = arith.constant 128 : i32
    %mul3A_246 = arith.muli %add3A_244, %mul3A_245 : i32
    %dma_start3A_247 = arith.constant 0 : i32
    %dma_start3A_248 = tpu.memref_slice %arg4[%mul3A_246, %dma_start3A_247] : memref<320000x128xf32, #tpu.memory_space<hbm>> -> memref<128x128xf32, #tpu.memory_space<hbm>>
    %dma_start3A_249 = arith.constant 0 : i32
    %dma_start3A_250 = tpu.memref_slice %arg4[%mul3A_246, %dma_start3A_249] : memref<320000x128xf32, #tpu.memory_space<hbm>> -> memref<128x128xf32, #tpu.memory_space<hbm>>
    tpu.enqueue_dma source(%arg12 : memref<128x128xf32, #tpu.memory_space<vmem>>) target(%dma_start3A_250 : memref<128x128xf32, #tpu.memory_space<hbm>>) target_semaphore(%arg24 : memref<!tpu.dma_semaphore, #tpu.memory_space<semaphore_mem>>)
    %add3A_251 = arith.constant 2432 : i32
    %add3A_252 = arith.addi %add3A_251, %add3A : i32
    %mul3A_253 = arith.constant 128 : i32
    %mul3A_254 = arith.muli %add3A_252, %mul3A_253 : i32
    %dma_wait3A_255 = tpu.memref_slice %arg2[%mul3A_254] : memref<320000xi32, #tpu.memory_space<hbm>> -> memref<128xi32, #tpu.memory_space<hbm>>
    %dma_wait3A_256 = tpu.memref_slice %arg2[%mul3A_254] : memref<320000xi32, #tpu.memory_space<hbm>> -> memref<128xi32, #tpu.memory_space<hbm>>
    tpu.wait_dma2 semaphore(%arg14 : memref<!tpu.dma_semaphore, #tpu.memory_space<semaphore_mem>>) src(%dma_wait3A_256 : memref<128xi32, #tpu.memory_space<hbm>>) dst(%arg6 : memref<128xi32, #tpu.memory_space<vmem>>)
    %add3A_257 = arith.constant 2304 : i32
    %add3A_258 = arith.addi %add3A_257, %add3A : i32
    %mul3A_259 = arith.constant 128 : i32
    %mul3A_260 = arith.muli %add3A_258, %mul3A_259 : i32
    %dma_wait3A_261 = arith.constant 0 : i32
    %dma_wait3A_262 = tpu.memref_slice %arg4[%mul3A_260, %dma_wait3A_261] : memref<320000x128xf32, #tpu.memory_space<hbm>> -> memref<128x128xf32, #tpu.memory_space<hbm>>
    %dma_wait3A_263 = arith.constant 0 : i32
    %dma_wait3A_264 = tpu.memref_slice %arg4[%mul3A_260, %dma_wait3A_263] : memref<320000x128xf32, #tpu.memory_space<hbm>> -> memref<128x128xf32, #tpu.memory_space<hbm>>
    tpu.wait_dma2 semaphore(%arg22 : memref<!tpu.dma_semaphore, #tpu.memory_space<semaphore_mem>>) src(%arg10 : memref<128x128xf32, #tpu.memory_space<vmem>>) dst(%dma_wait3A_264 : memref<128x128xf32, #tpu.memory_space<hbm>>)
    %dma_start3A_265 = arith.constant 0 : i32
    %dma_start3A_266 = arith.constant 0 : i32
    %dma_start3A_267 = tpu.memref_slice %arg5[%dma_start3A_265, %dma_start3A_266] : memref<225x128xf32, #tpu.memory_space<vmem_shared>> -> memref<225x128xf32, #tpu.memory_space<vmem_shared>>
    tpu.enqueue_indirect_dma source(%dma_start3A_267 : memref<225x128xf32, #tpu.memory_space<vmem_shared>>) target(%arg10 : memref<128x128xf32, #tpu.memory_space<vmem>>) offsets(%arg6 : memref<128xi32, #tpu.memory_space<vmem>>) semaphore(%arg18 : memref<!tpu.dma_semaphore, #tpu.memory_space<semaphore_mem>>)
    %dma_wait3A_268 = arith.constant 0 : i32
    %dma_wait3A_269 = arith.constant 0 : i32
    %dma_wait3A_270 = tpu.memref_slice %arg5[%dma_wait3A_268, %dma_wait3A_269] : memref<225x128xf32, #tpu.memory_space<vmem_shared>> -> memref<225x128xf32, #tpu.memory_space<vmem_shared>>
    tpu.wait_indirect_dma semaphore(%arg21 : memref<!tpu.dma_semaphore, #tpu.memory_space<semaphore_mem>>) src(%dma_wait3A_270 : memref<225x128xf32, #tpu.memory_space<vmem_shared>>) dst(%arg13 : memref<128x128xf32, #tpu.memory_space<vmem>>)
    %add3A_271 = arith.constant 2400 : i32
    %add3A_272 = arith.addi %add3A_271, %add3A : i32
    %mul3A_273 = arith.constant 128 : i32
    %mul3A_274 = arith.muli %add3A_272, %mul3A_273 : i32
    %dma_start3A_275 = arith.constant 0 : i32
    %dma_start3A_276 = tpu.memref_slice %arg4[%mul3A_274, %dma_start3A_275] : memref<320000x128xf32, #tpu.memory_space<hbm>> -> memref<128x128xf32, #tpu.memory_space<hbm>>
    %dma_start3A_277 = arith.constant 0 : i32
    %dma_start3A_278 = tpu.memref_slice %arg4[%mul3A_274, %dma_start3A_277] : memref<320000x128xf32, #tpu.memory_space<hbm>> -> memref<128x128xf32, #tpu.memory_space<hbm>>
    tpu.enqueue_dma source(%arg13 : memref<128x128xf32, #tpu.memory_space<vmem>>) target(%dma_start3A_278 : memref<128x128xf32, #tpu.memory_space<hbm>>) target_semaphore(%arg25 : memref<!tpu.dma_semaphore, #tpu.memory_space<semaphore_mem>>)
    %add3A_279 = arith.constant 2464 : i32
    %add3A_280 = arith.addi %add3A_279, %add3A : i32
    %mul3A_281 = arith.constant 128 : i32
    %mul3A_282 = arith.muli %add3A_280, %mul3A_281 : i32
    %dma_wait3A_283 = tpu.memref_slice %arg2[%mul3A_282] : memref<320000xi32, #tpu.memory_space<hbm>> -> memref<128xi32, #tpu.memory_space<hbm>>
    %dma_wait3A_284 = tpu.memref_slice %arg2[%mul3A_282] : memref<320000xi32, #tpu.memory_space<hbm>> -> memref<128xi32, #tpu.memory_space<hbm>>
    tpu.wait_dma2 semaphore(%arg15 : memref<!tpu.dma_semaphore, #tpu.memory_space<semaphore_mem>>) src(%dma_wait3A_284 : memref<128xi32, #tpu.memory_space<hbm>>) dst(%arg7 : memref<128xi32, #tpu.memory_space<vmem>>)
    %add3A_285 = arith.constant 2336 : i32
    %add3A_286 = arith.addi %add3A_285, %add3A : i32
    %mul3A_287 = arith.constant 128 : i32
    %mul3A_288 = arith.muli %add3A_286, %mul3A_287 : i32
    %dma_wait3A_289 = arith.constant 0 : i32
    %dma_wait3A_290 = tpu.memref_slice %arg4[%mul3A_288, %dma_wait3A_289] : memref<320000x128xf32, #tpu.memory_space<hbm>> -> memref<128x128xf32, #tpu.memory_space<hbm>>
    %dma_wait3A_291 = arith.constant 0 : i32
    %dma_wait3A_292 = tpu.memref_slice %arg4[%mul3A_288, %dma_wait3A_291] : memref<320000x128xf32, #tpu.memory_space<hbm>> -> memref<128x128xf32, #tpu.memory_space<hbm>>
    tpu.wait_dma2 semaphore(%arg23 : memref<!tpu.dma_semaphore, #tpu.memory_space<semaphore_mem>>) src(%arg11 : memref<128x128xf32, #tpu.memory_space<vmem>>) dst(%dma_wait3A_292 : memref<128x128xf32, #tpu.memory_space<hbm>>)
    %dma_start3A_293 = arith.constant 0 : i32
    %dma_start3A_294 = arith.constant 0 : i32
    %dma_start3A_295 = tpu.memref_slice %arg5[%dma_start3A_293, %dma_start3A_294] : memref<225x128xf32, #tpu.memory_space<vmem_shared>> -> memref<225x128xf32, #tpu.memory_space<vmem_shared>>
    tpu.enqueue_indirect_dma source(%dma_start3A_295 : memref<225x128xf32, #tpu.memory_space<vmem_shared>>) target(%arg11 : memref<128x128xf32, #tpu.memory_space<vmem>>) offsets(%arg7 : memref<128xi32, #tpu.memory_space<vmem>>) semaphore(%arg19 : memref<!tpu.dma_semaphore, #tpu.memory_space<semaphore_mem>>)
    %dma_wait3A_296 = arith.constant 0 : i32
    %dma_wait3A_297 = arith.constant 0 : i32
    %dma_wait3A_298 = tpu.memref_slice %arg5[%dma_wait3A_296, %dma_wait3A_297] : memref<225x128xf32, #tpu.memory_space<vmem_shared>> -> memref<225x128xf32, #tpu.memory_space<vmem_shared>>
    tpu.wait_indirect_dma semaphore(%arg18 : memref<!tpu.dma_semaphore, #tpu.memory_space<semaphore_mem>>) src(%dma_wait3A_298 : memref<225x128xf32, #tpu.memory_space<vmem_shared>>) dst(%arg10 : memref<128x128xf32, #tpu.memory_space<vmem>>)
    %add3A_299 = arith.constant 2432 : i32
    %add3A_300 = arith.addi %add3A_299, %add3A : i32
    %mul3A_301 = arith.constant 128 : i32
    %mul3A_302 = arith.muli %add3A_300, %mul3A_301 : i32
    %dma_start3A_303 = arith.constant 0 : i32
    %dma_start3A_304 = tpu.memref_slice %arg4[%mul3A_302, %dma_start3A_303] : memref<320000x128xf32, #tpu.memory_space<hbm>> -> memref<128x128xf32, #tpu.memory_space<hbm>>
    %dma_start3A_305 = arith.constant 0 : i32
    %dma_start3A_306 = tpu.memref_slice %arg4[%mul3A_302, %dma_start3A_305] : memref<320000x128xf32, #tpu.memory_space<hbm>> -> memref<128x128xf32, #tpu.memory_space<hbm>>
    tpu.enqueue_dma source(%arg10 : memref<128x128xf32, #tpu.memory_space<vmem>>) target(%dma_start3A_306 : memref<128x128xf32, #tpu.memory_space<hbm>>) target_semaphore(%arg22 : memref<!tpu.dma_semaphore, #tpu.memory_space<semaphore_mem>>)
    %dma_wait3A_307 = arith.constant 0 : i32
    %dma_wait3A_308 = arith.constant 0 : i32
    %dma_wait3A_309 = tpu.memref_slice %arg5[%dma_wait3A_307, %dma_wait3A_308] : memref<225x128xf32, #tpu.memory_space<vmem_shared>> -> memref<225x128xf32, #tpu.memory_space<vmem_shared>>
    tpu.wait_indirect_dma semaphore(%arg19 : memref<!tpu.dma_semaphore, #tpu.memory_space<semaphore_mem>>) src(%dma_wait3A_309 : memref<225x128xf32, #tpu.memory_space<vmem_shared>>) dst(%arg11 : memref<128x128xf32, #tpu.memory_space<vmem>>)
    %add3A_310 = arith.constant 2464 : i32
    %add3A_311 = arith.addi %add3A_310, %add3A : i32
    %mul3A_312 = arith.constant 128 : i32
    %mul3A_313 = arith.muli %add3A_311, %mul3A_312 : i32
    %dma_start3A_314 = arith.constant 0 : i32
    %dma_start3A_315 = tpu.memref_slice %arg4[%mul3A_313, %dma_start3A_314] : memref<320000x128xf32, #tpu.memory_space<hbm>> -> memref<128x128xf32, #tpu.memory_space<hbm>>
    %dma_start3A_316 = arith.constant 0 : i32
    %dma_start3A_317 = tpu.memref_slice %arg4[%mul3A_313, %dma_start3A_316] : memref<320000x128xf32, #tpu.memory_space<hbm>> -> memref<128x128xf32, #tpu.memory_space<hbm>>
    tpu.enqueue_dma source(%arg11 : memref<128x128xf32, #tpu.memory_space<vmem>>) target(%dma_start3A_317 : memref<128x128xf32, #tpu.memory_space<hbm>>) target_semaphore(%arg23 : memref<!tpu.dma_semaphore, #tpu.memory_space<semaphore_mem>>)
    %add3A_318 = arith.constant 2368 : i32
    %add3A_319 = arith.addi %add3A_318, %add3A : i32
    %mul3A_320 = arith.constant 128 : i32
    %mul3A_321 = arith.muli %add3A_319, %mul3A_320 : i32
    %dma_wait3A_322 = arith.constant 0 : i32
    %dma_wait3A_323 = tpu.memref_slice %arg4[%mul3A_321, %dma_wait3A_322] : memref<320000x128xf32, #tpu.memory_space<hbm>> -> memref<128x128xf32, #tpu.memory_space<hbm>>
    %dma_wait3A_324 = arith.constant 0 : i32
    %dma_wait3A_325 = tpu.memref_slice %arg4[%mul3A_321, %dma_wait3A_324] : memref<320000x128xf32, #tpu.memory_space<hbm>> -> memref<128x128xf32, #tpu.memory_space<hbm>>
    tpu.wait_dma2 semaphore(%arg24 : memref<!tpu.dma_semaphore, #tpu.memory_space<semaphore_mem>>) src(%arg12 : memref<128x128xf32, #tpu.memory_space<vmem>>) dst(%dma_wait3A_325 : memref<128x128xf32, #tpu.memory_space<hbm>>)
    %add3A_326 = arith.constant 2400 : i32
    %add3A_327 = arith.addi %add3A_326, %add3A : i32
    %mul3A_328 = arith.constant 128 : i32
    %mul3A_329 = arith.muli %add3A_327, %mul3A_328 : i32
    %dma_wait3A_330 = arith.constant 0 : i32
    %dma_wait3A_331 = tpu.memref_slice %arg4[%mul3A_329, %dma_wait3A_330] : memref<320000x128xf32, #tpu.memory_space<hbm>> -> memref<128x128xf32, #tpu.memory_space<hbm>>
    %dma_wait3A_332 = arith.constant 0 : i32
    %dma_wait3A_333 = tpu.memref_slice %arg4[%mul3A_329, %dma_wait3A_332] : memref<320000x128xf32, #tpu.memory_space<hbm>> -> memref<128x128xf32, #tpu.memory_space<hbm>>
    tpu.wait_dma2 semaphore(%arg25 : memref<!tpu.dma_semaphore, #tpu.memory_space<semaphore_mem>>) src(%arg13 : memref<128x128xf32, #tpu.memory_space<vmem>>) dst(%dma_wait3A_333 : memref<128x128xf32, #tpu.memory_space<hbm>>)
    %add3A_334 = arith.constant 2432 : i32
    %add3A_335 = arith.addi %add3A_334, %add3A : i32
    %mul3A_336 = arith.constant 128 : i32
    %mul3A_337 = arith.muli %add3A_335, %mul3A_336 : i32
    %dma_wait3A_338 = arith.constant 0 : i32
    %dma_wait3A_339 = tpu.memref_slice %arg4[%mul3A_337, %dma_wait3A_338] : memref<320000x128xf32, #tpu.memory_space<hbm>> -> memref<128x128xf32, #tpu.memory_space<hbm>>
    %dma_wait3A_340 = arith.constant 0 : i32
    %dma_wait3A_341 = tpu.memref_slice %arg4[%mul3A_337, %dma_wait3A_340] : memref<320000x128xf32, #tpu.memory_space<hbm>> -> memref<128x128xf32, #tpu.memory_space<hbm>>
    tpu.wait_dma2 semaphore(%arg22 : memref<!tpu.dma_semaphore, #tpu.memory_space<semaphore_mem>>) src(%arg10 : memref<128x128xf32, #tpu.memory_space<vmem>>) dst(%dma_wait3A_341 : memref<128x128xf32, #tpu.memory_space<hbm>>)
    %add3A_342 = arith.constant 2464 : i32
    %add3A_343 = arith.addi %add3A_342, %add3A : i32
    %mul3A_344 = arith.constant 128 : i32
    %mul3A_345 = arith.muli %add3A_343, %mul3A_344 : i32
    %dma_wait3A_346 = arith.constant 0 : i32
    %dma_wait3A_347 = tpu.memref_slice %arg4[%mul3A_345, %dma_wait3A_346] : memref<320000x128xf32, #tpu.memory_space<hbm>> -> memref<128x128xf32, #tpu.memory_space<hbm>>
    %dma_wait3A_348 = arith.constant 0 : i32
    %dma_wait3A_349 = tpu.memref_slice %arg4[%mul3A_345, %dma_wait3A_348] : memref<320000x128xf32, #tpu.memory_space<hbm>> -> memref<128x128xf32, #tpu.memory_space<hbm>>
    tpu.wait_dma2 semaphore(%arg23 : memref<!tpu.dma_semaphore, #tpu.memory_space<semaphore_mem>>) src(%arg11 : memref<128x128xf32, #tpu.memory_space<vmem>>) dst(%dma_wait3A_349 : memref<128x128xf32, #tpu.memory_space<hbm>>)
    %lt3A_350 = arith.constant 4 : i32
    %lt3A_351 = arith.cmpi slt, %add3A, %lt3A_350 : i32
    %convert_element_type3A_352 = arith.extui %lt3A_351 : i1 to i32
    %cond3A_353 = arith.constant 0 : i32
    %cond3A_354 = arith.cmpi ne, %convert_element_type3A_352, %cond3A_353 : i32
    scf.if %cond3A_354 {
      %add3A_355 = arith.constant 2496 : i32
      %add3A_356 = arith.addi %add3A_355, %add3A : i32
      %mul3A_357 = arith.constant 128 : i32
      %mul3A_358 = arith.muli %add3A_356, %mul3A_357 : i32
      "tpu.region"() ({
        %run_scoped3A = tpu.sem_alloc : memref<!tpu.dma_semaphore, #tpu.memory_space<semaphore_mem>>
        %dma_start3A_367 = tpu.memref_slice %arg2[%mul3A_358] : memref<320000xi32, #tpu.memory_space<hbm>> -> memref<128xi32, #tpu.memory_space<hbm>>
        %dma_start3A_368 = tpu.memref_slice %arg2[%mul3A_358] : memref<320000xi32, #tpu.memory_space<hbm>> -> memref<128xi32, #tpu.memory_space<hbm>>
        tpu.enqueue_dma source(%dma_start3A_368 : memref<128xi32, #tpu.memory_space<hbm>>) target(%arg6 : memref<128xi32, #tpu.memory_space<vmem>>) target_semaphore(%run_scoped3A : memref<!tpu.dma_semaphore, #tpu.memory_space<semaphore_mem>>)
        %dma_wait3A_369 = tpu.memref_slice %arg2[%mul3A_358] : memref<320000xi32, #tpu.memory_space<hbm>> -> memref<128xi32, #tpu.memory_space<hbm>>
        %dma_wait3A_370 = tpu.memref_slice %arg2[%mul3A_358] : memref<320000xi32, #tpu.memory_space<hbm>> -> memref<128xi32, #tpu.memory_space<hbm>>
        tpu.wait_dma2 semaphore(%run_scoped3A : memref<!tpu.dma_semaphore, #tpu.memory_space<semaphore_mem>>) src(%dma_wait3A_370 : memref<128xi32, #tpu.memory_space<hbm>>) dst(%arg6 : memref<128xi32, #tpu.memory_space<vmem>>)
        tpu.yield
      }) : () -> ()
      %dma_start3A_359 = arith.constant 0 : i32
      %dma_start3A_360 = arith.constant 0 : i32
      %dma_start3A_361 = tpu.memref_slice %arg5[%dma_start3A_359, %dma_start3A_360] : memref<225x128xf32, #tpu.memory_space<vmem_shared>> -> memref<225x128xf32, #tpu.memory_space<vmem_shared>>
      tpu.enqueue_indirect_dma source(%dma_start3A_361 : memref<225x128xf32, #tpu.memory_space<vmem_shared>>) target(%arg10 : memref<128x128xf32, #tpu.memory_space<vmem>>) offsets(%arg6 : memref<128xi32, #tpu.memory_space<vmem>>) semaphore(%arg18 : memref<!tpu.dma_semaphore, #tpu.memory_space<semaphore_mem>>)
      %dma_wait3A_362 = arith.constant 0 : i32
      %dma_wait3A_363 = arith.constant 0 : i32
      %dma_wait3A_364 = tpu.memref_slice %arg5[%dma_wait3A_362, %dma_wait3A_363] : memref<225x128xf32, #tpu.memory_space<vmem_shared>> -> memref<225x128xf32, #tpu.memory_space<vmem_shared>>
      tpu.wait_indirect_dma semaphore(%arg18 : memref<!tpu.dma_semaphore, #tpu.memory_space<semaphore_mem>>) src(%dma_wait3A_364 : memref<225x128xf32, #tpu.memory_space<vmem_shared>>) dst(%arg10 : memref<128x128xf32, #tpu.memory_space<vmem>>)
      %mul3A_365 = arith.constant 128 : i32
      %mul3A_366 = arith.muli %add3A_356, %mul3A_365 : i32
      "tpu.region"() ({
        %run_scoped3A = tpu.sem_alloc : memref<!tpu.dma_semaphore, #tpu.memory_space<semaphore_mem>>
        %dma_start3A_367 = arith.constant 0 : i32
        %dma_start3A_368 = tpu.memref_slice %arg4[%mul3A_366, %dma_start3A_367] : memref<320000x128xf32, #tpu.memory_space<hbm>> -> memref<128x128xf32, #tpu.memory_space<hbm>>
        %dma_start3A_369 = arith.constant 0 : i32
        %dma_start3A_370 = tpu.memref_slice %arg4[%mul3A_366, %dma_start3A_369] : memref<320000x128xf32, #tpu.memory_space<hbm>> -> memref<128x128xf32, #tpu.memory_space<hbm>>
        tpu.enqueue_dma source(%arg10 : memref<128x128xf32, #tpu.memory_space<vmem>>) target(%dma_start3A_370 : memref<128x128xf32, #tpu.memory_space<hbm>>) target_semaphore(%run_scoped3A : memref<!tpu.dma_semaphore, #tpu.memory_space<semaphore_mem>>)
        %dma_wait3A_371 = arith.constant 0 : i32
        %dma_wait3A_372 = tpu.memref_slice %arg4[%mul3A_366, %dma_wait3A_371] : memref<320000x128xf32, #tpu.memory_space<hbm>> -> memref<128x128xf32, #tpu.memory_space<hbm>>
        %dma_wait3A_373 = arith.constant 0 : i32
        %dma_wait3A_374 = tpu.memref_slice %arg4[%mul3A_366, %dma_wait3A_373] : memref<320000x128xf32, #tpu.memory_space<hbm>> -> memref<128x128xf32, #tpu.memory_space<hbm>>
        tpu.wait_dma2 semaphore(%run_scoped3A : memref<!tpu.dma_semaphore, #tpu.memory_space<semaphore_mem>>) src(%arg10 : memref<128x128xf32, #tpu.memory_space<vmem>>) dst(%dma_wait3A_374 : memref<128x128xf32, #tpu.memory_space<hbm>>)
        tpu.yield
      }) : () -> ()
    } else {
    }
    return
  }
}

module attributes {stable_mosaic.version = 14 : i64} {
  func.func @_dense_body(%arg0: i32, %arg1: memref<1x1x1000xi32, #tpu.memory_space<vmem>>, %arg2: memref<1000x6xf32, #tpu.memory_space<vmem>>, %arg3: memref<5000x3xf32, #tpu.memory_space<vmem>>, %arg4: memref<1024x128xbf16, #tpu.memory_space<vmem>>, %arg5: memref<6x128xf32, #tpu.memory_space<vmem>>, %arg6: memref<1x128xf32, #tpu.memory_space<vmem>>, %arg7: memref<3x128xf32, #tpu.memory_space<vmem>>, %arg8: memref<1x128xf32, #tpu.memory_space<vmem>>, %arg9: memref<1000x128xf32, #tpu.memory_space<vmem>>, %arg10: memref<5000x128xf32, #tpu.memory_space<vmem>>) attributes {dimension_semantics = [#tpu.dimension_semantics<arbitrary>], iteration_bounds = array<i64: 10>, scalar_prefetch = 0 : i64, scratch_operands = 0 : i64, tpu.core_type = #tpu.core_type<tc>, window_params = [{transform_indices = @transform_0, window_bounds = array<i64: 1, 1, 1000>}, {transform_indices = @transform_1, window_bounds = array<i64: 1000, 6>}, {transform_indices = @transform_2, window_bounds = array<i64: 5000, 3>}, {pipeline_mode = #tpu.pipeline_mode<synchronous>, transform_indices = @transform_3, window_bounds = array<i64: 1024, 128>}, {pipeline_mode = #tpu.pipeline_mode<synchronous>, transform_indices = @transform_4, window_bounds = array<i64: 6, 128>}, {pipeline_mode = #tpu.pipeline_mode<synchronous>, transform_indices = @transform_5, window_bounds = array<i64: 1, 128>}, {pipeline_mode = #tpu.pipeline_mode<synchronous>, transform_indices = @transform_6, window_bounds = array<i64: 3, 128>}, {pipeline_mode = #tpu.pipeline_mode<synchronous>, transform_indices = @transform_7, window_bounds = array<i64: 1, 128>}, {transform_indices = @transform_8, window_bounds = array<i64: 1000, 128>}, {transform_indices = @transform_9, window_bounds = array<i64: 5000, 128>}]} {
    %get3A = arith.constant 0 : index
    %get3A_0 = arith.constant 0 : index
    %get3A_1 = arith.constant 0 : index
    %get3A_2 = vector.load %arg1[%get3A, %get3A_0, %get3A_1] : memref<1x1x1000xi32, #tpu.memory_space<vmem>>, vector<1x1x1000xi32>
    %get3A_3 = vector.shape_cast %get3A_2 : vector<1x1x1000xi32> to vector<1000xi32>
    %broadcast_in_dim3A = vector.shape_cast %get3A_3 : vector<1000xi32> to vector<1000x1xi32>
    %iota3A = tpu.iota {dimensions = array<i32: 1>} : vector<1000x1024xi32>
    %eq3A = vector.broadcast %broadcast_in_dim3A : vector<1000x1xi32> to vector<1000x1024xi32>
    %eq3A_4 = arith.cmpi eq, %eq3A, %iota3A : vector<1000x1024xi32>
    %convert_element_type3A = arith.extui %eq3A_4 : vector<1000x1024xi1> to vector<1000x1024xi32>
    %convert_element_type3A_5 = arith.sitofp %convert_element_type3A : vector<1000x1024xi32> to vector<1000x1024xf32>
    %convert_element_type3A_6 = arith.truncf %convert_element_type3A_5 : vector<1000x1024xf32> to vector<1000x1024xbf16>
    %get3A_7 = arith.constant 0 : index
    %get3A_8 = arith.constant 0 : index
    %get3A_9 = vector.load %arg4[%get3A_7, %get3A_8] : memref<1024x128xbf16, #tpu.memory_space<vmem>>, vector<1024x128xbf16>
    %dot_general3A = arith.constant dense<0.000000e+00> : vector<1000x128xf32>
    %dot_general3A_10 = tpu.matmul %convert_element_type3A_6, %get3A_9, %dot_general3A {dimension_numbers = #tpu.dot_dimension_numbers<[1], [0], [0], [1], [0, 0, 1, 1], [], []>, transpose_lhs_hint = false} : vector<1000x1024xbf16>, vector<1024x128xbf16>, vector<1000x128xf32> -> vector<1000x128xf32>
    %get3A_11 = arith.constant 0 : index
    %get3A_12 = arith.constant 0 : index
    %get3A_13 = vector.load %arg2[%get3A_11, %get3A_12] : memref<1000x6xf32, #tpu.memory_space<vmem>>, vector<1000x6xf32>
    %get3A_14 = arith.constant 0 : index
    %get3A_15 = arith.constant 0 : index
    %get3A_16 = vector.load %arg5[%get3A_14, %get3A_15] : memref<6x128xf32, #tpu.memory_space<vmem>>, vector<6x128xf32>
    %dot_general3A_17 = arith.constant dense<0.000000e+00> : vector<1000x128xf32>
    %dot_general3A_18 = tpu.matmul %get3A_13, %get3A_16, %dot_general3A_17 {dimension_numbers = #tpu.dot_dimension_numbers<[1], [0], [0], [1], [0, 0, 1, 1], [], []>, transpose_lhs_hint = false} : vector<1000x6xf32>, vector<6x128xf32>, vector<1000x128xf32> -> vector<1000x128xf32>
    %add3A = arith.addf %dot_general3A_10, %dot_general3A_18 : vector<1000x128xf32>
    %get3A_19 = arith.constant 0 : index
    %get3A_20 = arith.constant 0 : index
    %get3A_21 = vector.load %arg6[%get3A_19, %get3A_20] : memref<1x128xf32, #tpu.memory_space<vmem>>, vector<1x128xf32>
    %add3A_22 = vector.broadcast %get3A_21 : vector<1x128xf32> to vector<1000x128xf32>
    %add3A_23 = arith.addf %add3A, %add3A_22 : vector<1000x128xf32>
    %swap3A = arith.constant 0 : index
    %swap3A_24 = arith.constant 0 : index
    %swap3A_25 = vector.load %arg9[%swap3A, %swap3A_24] : memref<1000x128xf32, #tpu.memory_space<vmem>>, vector<1000x128xf32>
    tpu.vector_store %arg9[%swap3A, %swap3A_24], %add3A_23 {strides = array<i32>} : memref<1000x128xf32, #tpu.memory_space<vmem>>, vector<1000x128xf32>,
    %get3A_26 = arith.constant 0 : index
    %get3A_27 = arith.constant 0 : index
    %get3A_28 = vector.load %arg3[%get3A_26, %get3A_27] : memref<5000x3xf32, #tpu.memory_space<vmem>>, vector<5000x3xf32>
    %get3A_29 = arith.constant 0 : index
    %get3A_30 = arith.constant 0 : index
    %get3A_31 = vector.load %arg7[%get3A_29, %get3A_30] : memref<3x128xf32, #tpu.memory_space<vmem>>, vector<3x128xf32>
    %dot_general3A_32 = arith.constant dense<0.000000e+00> : vector<5000x128xf32>
    %dot_general3A_33 = tpu.matmul %get3A_28, %get3A_31, %dot_general3A_32 {dimension_numbers = #tpu.dot_dimension_numbers<[1], [0], [0], [1], [0, 0, 1, 1], [], []>, transpose_lhs_hint = false} : vector<5000x3xf32>, vector<3x128xf32>, vector<5000x128xf32> -> vector<5000x128xf32>
    %get3A_34 = arith.constant 0 : index
    %get3A_35 = arith.constant 0 : index
    %get3A_36 = vector.load %arg8[%get3A_34, %get3A_35] : memref<1x128xf32, #tpu.memory_space<vmem>>, vector<1x128xf32>
    %add3A_37 = vector.broadcast %get3A_36 : vector<1x128xf32> to vector<5000x128xf32>
    %add3A_38 = arith.addf %dot_general3A_33, %add3A_37 : vector<5000x128xf32>
    %swap3A_39 = arith.constant 0 : index
    %swap3A_40 = arith.constant 0 : index
    %swap3A_41 = vector.load %arg10[%swap3A_39, %swap3A_40] : memref<5000x128xf32, #tpu.memory_space<vmem>>, vector<5000x128xf32>
    tpu.vector_store %arg10[%swap3A_39, %swap3A_40], %add3A_38 {strides = array<i32>} : memref<5000x128xf32, #tpu.memory_space<vmem>>, vector<5000x128xf32>,
    return
  }
  func.func @transform_0(%arg0: i32) -> (i32, i32, i32) {
    %c0_i32 = arith.constant 0 : i32
    %c0_i32_0 = arith.constant 0 : i32
    %c0_i32_1 = arith.constant 0 : i32
    return %arg0, %c0_i32, %c0_i32_0 : i32, i32, i32
  }
  func.func @transform_1(%arg0: i32) -> (i32, i32) {
    %c0_i32 = arith.constant 0 : i32
    %c0_i32_0 = arith.constant 0 : i32
    return %arg0, %c0_i32 : i32, i32
  }
  func.func @transform_2(%arg0: i32) -> (i32, i32) {
    %c0_i32 = arith.constant 0 : i32
    %c0_i32_0 = arith.constant 0 : i32
    return %arg0, %c0_i32 : i32, i32
  }
  func.func @transform_3(%arg0: i32) -> (i32, i32) {
    %c0_i32 = arith.constant 0 : i32
    %c0_i32_0 = arith.constant 0 : i32
    %c0_i32_1 = arith.constant 0 : i32
    return %c0_i32, %c0_i32_0 : i32, i32
  }
  func.func @transform_4(%arg0: i32) -> (i32, i32) {
    %c0_i32 = arith.constant 0 : i32
    %c0_i32_0 = arith.constant 0 : i32
    %c0_i32_1 = arith.constant 0 : i32
    return %c0_i32, %c0_i32_0 : i32, i32
  }
  func.func @transform_5(%arg0: i32) -> (i32, i32) {
    %c0_i32 = arith.constant 0 : i32
    %c0_i32_0 = arith.constant 0 : i32
    %c0_i32_1 = arith.constant 0 : i32
    return %c0_i32, %c0_i32_0 : i32, i32
  }
  func.func @transform_6(%arg0: i32) -> (i32, i32) {
    %c0_i32 = arith.constant 0 : i32
    %c0_i32_0 = arith.constant 0 : i32
    %c0_i32_1 = arith.constant 0 : i32
    return %c0_i32, %c0_i32_0 : i32, i32
  }
  func.func @transform_7(%arg0: i32) -> (i32, i32) {
    %c0_i32 = arith.constant 0 : i32
    %c0_i32_0 = arith.constant 0 : i32
    %c0_i32_1 = arith.constant 0 : i32
    return %c0_i32, %c0_i32_0 : i32, i32
  }
  func.func @transform_8(%arg0: i32) -> (i32, i32) {
    %c0_i32 = arith.constant 0 : i32
    %c0_i32_0 = arith.constant 0 : i32
    return %arg0, %c0_i32 : i32, i32
  }
  func.func @transform_9(%arg0: i32) -> (i32, i32) {
    %c0_i32 = arith.constant 0 : i32
    %c0_i32_0 = arith.constant 0 : i32
    return %arg0, %c0_i32 : i32, i32
  }
}

</mosaic_0001>

<sc_bundles>
// kernel: kernel.4.cloned.1.call-start
scs
__scs_entry_jumppad:
0x0: {  	(pc) =	sbr.rel $0x88, $3  }
0x1: {  	(tag) =	ssettag $0x0;
	lr =	simm.s32 $0x1  }
0x2: {  	[smem:$0x3F97] =	sst lr;
	_ =	strace $0xD0000000  }
0x3: {  	_ = 	snop  }
0x4: {  	_ = 	snop  }
0x5: {  	_ = 	snop  }
0x6: {  	_ = 	snop  }
0x7: {  	_ = 	snop  }
__scs_overlays_trampoline_lowered:
0x8: {  	[smem:$0x3FA6] =	sst s0  }
0x9: {  	[smem:$0x3FA7] =	sst s1  }
0xa: {  	[smem:$0x3FA8] =	sst s2  }
0xb: {  	[smem:$0x3FA9] =	sst s3  }
0xc: {  	[smem:$0x3FAA] =	sst s4  }
0xd: {  	[smem:$0x3FAB] =	sst s5  }
0xe: {  	[smem:$0x3FAC] =	sst s6  }
0xf: {  	[smem:$0x3FAD] =	sst s7  }
0x10: {  	[smem:$0x3FAE] =	sst s8  }
0x11: {  	[smem:$0x3FAF] =	sst s9;
	s0 =	simm.s32 @!p0 $0x0  }
0x12: {  	s1 =	sld [smem:$0x3F95];
	s0 =	simm.s32 @p0 $0x1  }
0x13: {  	[smem:$0x3FB0] =	sst s0;
	s0 =	simm.s32 @!p1 $0x0  }
0x14: {  	s2 =	sld [smem:$0x3F94];
	s0 =	simm.s32 @p1 $0x1  }
0x15: {  	[smem:$0x3FB1] =	sst s0;
	s0 =	simm.s32 @!p2 $0x0  }
0x16: {  	s3 =	sld [smem:$0x3FDB];
	s0 =	simm.s32 @p2 $0x1  }
0x17: {  	s4 =	simm.s32 $0x1BF5;
	[smem:$0x3FB3] =	sst s0  }
0x18: {  	s0 =	sld [smem:$0x3F96];
	_ =	swait.ge [sflag:s4], $0x0  }
0x19: {  	s7 =	sld [smem:$0x3F97]  }
0x1a: {  	s8 =	sadd.s32 $0xFFFFE003, lr  }
0x1b: {  	s9 =	sadd.s32 $0xFFFFFEF7, lr;
	s5 =	simm.s32 $0xFFFFFFFF;
	p2 =	slt.u32 s8, $0xFFFFF086  }
0x1c: {  	p1 =	slt.u32 s9, $0xF7A;
	s5 =	simm.s32 @!p2 $0x0  }
0x1d: {  	s5 =	simm.s32 @p1 $0x1;
	p0 =	seq.s32 s7, s2  }
0x1e: {  	s7 =	smul.u32 @!p0 $0xF7A, s2;
	p2 =	seq.s32 @!p0 s5, $0x0  }
0x1f: {  	s9 =	smul.u32 $0xF7A, s1;
	s8 =	simm.s32 @!p0 $0x1BF5;
	p2 =	por !p2, p0  }
0x20: {  	[sflag:s8] =	ssyncset.s32 @!p0 $0xFFFFF086;
	s6 =	sadd.s32 @!p0 s3, s7;
	s7 =	simm.s32 @!p0 $0x108  }
0x21: {  	s3 =	sadd.s32 s3, s9;
	s6 =	sadd.s32 @!p0 $0x88, s6;
	s7 =	simm.s32 @p2 $0x1082  }
0x22: {  	[simem:s7], [sflag:s8] =	dma.local @!p0 [hbm:s6], $0xF7A  }
0x23: {  	s9 =	sor.u32 $0xD0000000, s2;
	s6 =	simm.s32 $0x108;
	_ =	swait.ge @!p0 [sflag:s8], $0x0  }
0x24: {  	s3 =	sadd.s32 $0x88, s3;
	s6 =	simm.s32 @!p1 $0x1082;
	[sflag:s4] =	ssyncset.s32 $0xFFFFF086  }
0x25: {  	[simem:s6], [sflag:s4] =	dma.local [hbm:s3], $0xF7A  }
0x26: {  	[smem:$0x3F97] =	sst s1;
	(tag) =	ssettag s2;
	_ =	strace s9  }
0x27: {  	s1 =	sld [smem:$0x3FA7]  }
0x28: {  	s2 =	sld [smem:$0x3FA8]  }
0x29: {  	s4 =	sld [smem:$0x3FAA]  }
0x2a: {  	p0 =	seq.s32 s5, $0x0;
	s5 =	sld [smem:$0x3FAB]  }
0x2b: {  	s6 =	sld [smem:$0x3FAC]  }
0x2c: {  	s7 =	sld [smem:$0x3FAD]  }
0x2d: {  	s3 =	simm.s32 $0x108;
	s8 =	sld [smem:$0x3FAE]  }
0x2e: {  	s3 =	simm.s32 @!p0 $0x1082;
	s9 =	sld [smem:$0x3FAF]  }
0x2f: {  	lr =	sadd.s32 s0, s3;
	s0 =	sld [smem:$0x3FA6]  }
0x30: {  	s3 =	sld [smem:$0x3FA9]  }
0x31: {  	[smem:$0x3FB2] =	sst s10  }
0x32: {  	s10 =	sld [smem:$0x3FB0];
	_ =	sdelay $0x3  }
0x33: {  	p0 =	seq.s32 s10, $0x1;
	s10 =	sld [smem:$0x3FB2];
	_ =	sdelay $0x3  }
0x34: {  	[smem:$0x3FB2] =	sst s10  }
0x35: {  	s10 =	sld [smem:$0x3FB1];
	_ =	sdelay $0x3  }
0x36: {  	p1 =	seq.s32 s10, $0x1;
	s10 =	sld [smem:$0x3FB2];
	_ =	sdelay $0x3  }
0x37: {  	[smem:$0x3FB2] =	sst s10  }
0x38: {  	s10 =	sld [smem:$0x3FB3]  }
0x39: {  	_ = 	snop;
	(pc) =	sbr.ind lr, $3  }
0x3a: {  	_ = 	snop  }
0x3b: {  	_ = 	snop  }
0x3c: {  	p2 =	seq.s32 s10, $0x1;
	s10 =	sld [smem:$0x3FB2]  }
0x3d: {  	_ =	shalt  }
0x3e: {  	_ =	shalt  }
0x3f: {  	_ =	shalt  }
0x40: {  	_ =	shalt  }
0x41: {  	_ =	shalt  }
0x42: {  	_ =	shalt  }
0x43: {  	_ =	shalt  }
0x44: {  	_ =	shalt  }
0x45: {  	_ =	shalt  }
0x46: {  	_ =	shalt  }
0x47: {  	_ =	shalt  }
0x48: {  	_ =	shalt  }
0x49: {  	_ =	shalt  }
0x4a: {  	_ =	shalt  }
0x4b: {  	_ =	shalt  }
0x4c: {  	_ =	shalt  }
0x4d: {  	_ =	shalt  }
0x4e: {  	_ =	shalt  }
0x4f: {  	_ =	shalt  }
0x50: {  	_ =	shalt  }
0x51: {  	_ =	shalt  }
0x52: {  	_ =	shalt  }
0x53: {  	_ =	shalt  }
0x54: {  	_ =	shalt  }
0x55: {  	_ =	shalt  }
0x56: {  	_ =	shalt  }
0x57: {  	_ =	shalt  }
0x58: {  	_ =	shalt  }
0x59: {  	_ =	shalt  }
0x5a: {  	_ =	shalt  }
0x5b: {  	_ =	shalt  }
0x5c: {  	_ =	shalt  }
0x5d: {  	_ =	shalt  }
0x5e: {  	_ =	shalt  }
0x5f: {  	_ =	shalt  }
0x60: {  	_ =	shalt  }
0x61: {  	_ =	shalt  }
0x62: {  	_ =	shalt  }
0x63: {  	_ =	shalt  }
0x64: {  	_ =	shalt  }
0x65: {  	_ =	shalt  }
0x66: {  	_ =	shalt  }
0x67: {  	_ =	shalt  }
0x68: {  	_ =	shalt  }
0x69: {  	_ =	shalt  }
0x6a: {  	_ =	shalt  }
0x6b: {  	_ =	shalt  }
0x6c: {  	_ =	shalt  }
0x6d: {  	_ =	shalt  }
0x6e: {  	_ =	shalt  }
0x6f: {  	_ =	shalt  }
0x70: {  	_ =	shalt  }
0x71: {  	_ =	shalt  }
0x72: {  	_ =	shalt  }
0x73: {  	_ =	shalt  }
0x74: {  	_ =	shalt  }
0x75: {  	_ =	shalt  }
0x76: {  	_ =	shalt  }
0x77: {  	_ =	shalt  }
0x78: {  	_ =	shalt  }
0x79: {  	_ =	shalt  }
0x7a: {  	_ =	shalt  }
0x7b: {  	_ =	shalt  }
0x7c: {  	_ =	shalt  }
0x7d: {  	_ =	shalt  }
0x7e: {  	_ =	shalt  }
0x7f: {  	_ =	shalt  }
0x80: {  	_ =	shalt  }
0x81: {  	_ =	shalt  }
0x82: {  	_ =	shalt  }
0x83: {  	_ =	shalt  }
0x84: {  	_ =	shalt  }
0x85: {  	_ =	shalt  }
0x86: {  	_ =	shalt  }
0x87: {  	_ =	shalt  }
.Lfunc_end0:
.L_simem_size_0:
called_computation_lowered:
.L_overlay_start_0:
0x88: {  	s2 =	sld [smem:$0x3FD9]  }
0x89: {  	s3 =	sld [smem:$0x3FFE];
	_ =	sdelay $0x1  }
0x8a: {  	s1 =	srdreg.scid  }
0x8b: {  	s0 =	sand.u32 $0x1, s1  }
0x8c: {  	s14 =	sshll.u32 s0, $0xA;
	s2 =	sadd.s32 s3, s2  }
0x8d: {  	s2 =	sadd.s32 s2, s14  }
0x8e: {  	[smem:$0x3FBE] =	sst s2  }
0x8f: {  	_ = 	snop  }
0x90: {  	s2 =	sld [smem:$0x3FD0];
	_ =	sdelay $0x2  }
0x91: {  	s4 =	simm.s32 $0xA;
	s5 =	simm.s32 $0x10;
	s15 =	sld [smem:$0x3FC4]  }
0x92: {  	[smem:s5], [sflag:s4] =	dma.local [hbm:s2], $0x1  }
0x93: {  	_ =	swait.eq [sflag:s4], $0x1  }
0x94: {  	[sflag:s4] =	ssyncset.done $0x0  }
0x95: {  	[sflag:s4] =	ssyncadd.s32 $0xFFFFFFFF  }
0x96: {  	s16 =	sld [smem:$0x11];
	(tm) =	ssettm $0x1  }
0x97: {  	s17 =	sld [smem:$0x3FFB];
	_ =	sdelay $0x3  }
0x98: {  	_ =	strace s17  }
0x99: {  	s4 =	sld [smem:$0x3FFC];
	_ =	sdelay $0x3  }
0x9a: {  	_ =	strace s4  }
0x9b: {  	s4 =	sld [smem:$0x3FFD];
	_ =	sdelay $0x3  }
0x9c: {  	_ =	strace s4  }
0x9d: {  	_ =	strace $0x8FFFFFFF  }
0x9e: {  	s18 =	sld [smem:$0x3FDB];
	_ =	sdelay $0x1  }
0x9f: {  	s19 =	simm.s32 $_scs_section_size  }
0xa0: {  	s6 =	simm.s32 $_size__tile_overlayer_lowered;
	s7 =	simm.s32 $_tile_overlayer_lowered  }
0xa1: {  	s22 =	simm.s32 $0x1BFF;
	s21 =	sshll.u32 s7, $0x1;
	s4 =	sadd.s32 s19, s18  }
0xa2: {  	s8 =	simm.s32 $0x0;
	s20 =	sshll.u32 s6, $0x1;
	s6 =	sadd.s32 s21, s4  }
0xa3: {  	[timem:s8], [sflag:s22] =	dma.local [hbm:s6], s20  }
0xa4: {  	_ =	swait.ge [sflag:s22], s20  }
0xa5: {  	s5 =	ssub.s32 $0x0, s20;
	[sflag:s22] =	ssyncset.done $0x0  }
0xa6: {  	[sflag:s22] =	ssyncadd.s32 s5;
	_ =	sdelay $0x1  }
0xa7: {  	s23 =	simm.s32 $0x1B8B  }
0xa8: {  	_ =	swait.ge [sflag:s23], $0x1  }
0xa9: {  	[sflag:s23] =	ssyncset.done $0x0  }
0xaa: {  	s25 =	simm.s32 $0x1B8E;
	s24 =	sld [smem:$0x3FFE];
	[sflag:s23] =	ssyncadd.s32 $0xFFFFFFFF  }
0xab: {  	s26 =	simm.s32 $execute0_lowered;
	[smem:$0x3FD2] =	sst s25  }
0xac: {  	s6 =	sshll.u32 s26, $0x1;
	_ =	strace $0x80000046;
	[dreg:$0x1] =	wrdreg $0xFFFFFFFF  }
0xad: {  	s28 =	simm.s32 $_size_execute0_lowered;
	s4 =	sadd.s32 s4, s6;
	[dreg:$0x0] =	wrdreg $0x0  }
0xae: {  	s6 =	sshll.u32 s28, $0x1;
	[dreg:$0x2] =	wrdreg s4  }
0xaf: {  	[dreg:$0x3] =	wrdreg s6  }
0xb0: {  	[dreg:$0x4] =	wrdreg $0xC0  }
0xb1: {  	_ =	task [dreg:s8], $0x5FFFF  }
0xb2: {  	[dreg:$0x1] =	wrdreg $0xFFFFFFFF  }
0xb3: {  	[dreg:$0x0] =	wrdreg $0x60  }
0xb4: {  	[dreg:$0x2] =	wrdreg s24  }
0xb5: {  	[dreg:$0x3] =	wrdreg s15  }
0xb6: {  	[dreg:$0x4] =	wrdreg s16  }
0xb7: {  	[dreg:$0x5] =	wrdreg $0x0  }
0xb8: {  	[dreg:$0x6] =	wrdreg $0x9  }
0xb9: {  	_ =	task.clear_ibuf [dreg:s8], $0x7FFFF;
	_ =	strace $0x90000046  }
0xba: {  	s29 =	simm.s32 $0x9;
	_ =	strace $0x80000048  }
0xbb: {  	_ =	swait.ge [sflag:s29], $0x1  }
0xbc: {  	[sflag:s29] =	ssyncadd.s32 $0xFFFFFFFF  }
0xbd: {  	_ =	strace $0x90000048  }
0xbe: {  	_ =	sfence  }
0xbf: {  	s30 =	sld [smem:$0x0];
	_ =	sdelay $0x2  }
0xc0: {  	s31 =	sshll.u32 s1, $0xD;
	s1 =	sshrl.u32 s1, $0x2  }
0xc1: {  	s3 =	sand.u32 $0x4000, s31;
	s1 =	sadd.s32 s1, s30  }
0xc2: {  	s0 =	sor.u32 s3, s0;
	s1 =	sshll.u32 s1, $0x11  }
0xc3: {  	s0 =	sor.u32 s1, s0  }
0xc4: {  	s0 =	sadd.s32 $0x8F2B, s0  }
0xc5: {  	[sflag:s0] =	ssyncadd.remote.s32 $0x1  }
0xc6: {  	_ =	sfence.sel $0xFFFF  }
0xc7: {  	[dreg:$0x0] =	wrdreg $0xFFFFFFFF;
	(pc) =	sbr.abs _section_cstart, $3  }
0xc8: {  	[dreg:$0x1] =	wrdreg $0xFFFFFFFF  }
0xc9: {  	_ =	task.clear_ibuf [dreg:s8], $0x2FFFF;
	_ =	strace $0x9FFFFFFF  }
0xca: {  	(tm) =	ssettm $0x7FFFFFFF  }
0xcb: {  	_ =	shalt  }
tec
execute0_lowered:
.L_overlay_start_1:
0x0: {  	(tag) =	ssettag $0x1  }
0x1: {  	s1 =	rddreg [dreg:$0x0]  }
0x2: {  	s4 =	rddreg [dreg:$0x1]  }
0x3: {  	s0 =	rddreg [dreg:$0x2]  }
0x4: {  	s2 =	rddreg [dreg:$0x3];
	s3 =	simm.s32 $0x0;
	s5 =	srdreg.scid  }
0x5: {  	s18 =	stileid.u32;
	[smem:$0x7FF] =	sst s3  }
0x6: {  	s5 =	sand.u32 $0x1, s5;
	s6 =	sshll.u32 s18, $0x1;
	s1 =	sadd.s32 $0x1200, s1  }
0x7: {  	s21 =	sshll.u32 s18, $0xC;
	s24 =	sshll.u32 s18, $0x5;
	s26 =	sshll.u32 s18, $0x8  }
0x8: {  	p0 =	sgt.u32 s18, $0xD;
	p2 =	sgt.u32 s18, $0x1;
	_ =	strace $0x80000047  }
0x9: {  	s6 =	sor.u32 s5, s6;
	s7 =	ssub.s32 $0x2, s5;
	p1 =	sne.s32 @p0 s18, $0xE  }
0xa: {  	s8 =	sshll.u32 s6, $0x7;
	s9 =	sshrl.u32 s7, $0x1;
	s10 =	sshll.u32 s6, $0x4  }
0xb: {  	s6 =	sshll.u32 s6, $0xB;
	p1 =	por p1, !p0;
	s11 =	sor.u32 $0x1000, s8  }
0xc: {  	s7 =	ssub.s32 s7, s9;
	s19 =	sadd.s32 s1, s10;
	s29 =	sor.u32 $0x2000, s8  }
0xd: {  	s31 =	sor.u32 $0x4B000, s8;
	s15 =	sor.u32 $0x4C000, s8;
	s20 =	sor.u32 $0x4D000, s8  }
0xe: {  	s8 =	sor.u32 $0x4E000, s8;
	s28 =	sshrl.u32 s11, $0x3;
	s12 =	sshrl.u32 s29, $0x3  }
0xf: {  	s13 =	sshrl.u32 s31, $0x3;
	s17 =	sshrl.u32 s15, $0x3;
	s14 =	sshrl.u32 s20, $0x3  }
0x10: {  	s23 =	sshrl.u32 s8, $0x3;
	s25 =	sadd.s32 $0x600, s19;
	s29 =	sshll.u32 s29, $0x4  }
0x11: {  	s31 =	sshll.u32 s31, $0x4;
	s15 =	sshll.u32 s15, $0x4;
	[dreg:$0x7] =	wrdreg s19  }
0x12: {  	s8 =	sshll.u32 s8, $0x4;
	s9 =	sadd.s32 s1, s28;
	[dreg:$0xe] =	wrdreg s25  }
0x13: {  	s12 =	sadd.s32 s1, s12;
	s16 =	sadd.s32 s1, s13;
	[dreg:$0x8] =	wrdreg s9  }
0x14: {  	s14 =	sadd.s32 s1, s14;
	s28 =	sshll.u32 s11, $0x4;
	[dreg:$0x9] =	wrdreg s12  }
0x15: {  	s10 =	sadd.s32 s0, s29;
	s11 =	sadd.s32 s0, s31;
	[dreg:$0xa] =	wrdreg s16  }
0x16: {  	s25 =	sadd.s32 $0xC00, s19;
	s12 =	sadd.s32 s1, s17;
	[dreg:$0xc] =	wrdreg s14  }
0x17: {  	s16 =	sadd.s32 s21, s0;
	s17 =	sshll.u32 s5, $0xB;
	[dreg:$0x12] =	wrdreg s10  }
0x18: {  	s5 =	sshll.u32 s5, $0x4;
	s14 =	sadd.s32 s4, s26;
	[dreg:$0x13] =	wrdreg s11  }
0x19: {  	s4 =	sadd.s32 $0xE00, s4;
	[dreg:$0x1c] =	wrdreg s25;
	s9 =	simm.s32 $0x80  }
0x1a: {  	s10 =	simm.s32 $0x908;
	s11 =	simm.s32 $0x2;
	s25 =	simm.s32 $0xC  }
0x1b: {  	[dreg:$0xb] =	wrdreg s12;
	s22 =	sadd.s32 s17, s16;
	s16 =	sadd.s32 s1, s23  }
0x1c: {  	s1 =	sadd.s32 s24, s1;
	s13 =	sor.u32 s17, s21;
	[dreg:$0xf] =	wrdreg s14  }
0x1d: {  	[dreg:$0x10] =	wrdreg s4;
	s14 =	sadd.s32 s0, s6;
	s4 =	sadd.s32 s0, s28  }
0x1e: {  	s21 =	sshll.u32 s18, $0xB;
	s23 =	smax.u32 s7, $0x1;
	s24 =	sadd.s32 $0xA00, s19  }
0x1f: {  	s6 =	simm.s32 $0x808;
	s7 =	simm.s32 $0x888;
	[dreg:$0x5] =	wrdreg s22  }
0x20: {  	s12 =	simm.s32 $0x4908;
	s18 =	simm.s32 $0x4;
	[dreg:$0xd] =	wrdreg s16  }
0x21: {  	s1 =	sadd.s32 s5, s1;
	s5 =	sadd.s32 $0x7000, s2;
	[dreg:$0x11] =	wrdreg s4  }
0x22: {  	s16 =	sshll.u32 s20, $0x4;
	s4 =	sadd.s32 s0, s15;
	[dreg:$0x18] =	wrdreg s23  }
0x23: {  	s20 =	sadd.s32 s0, s8;
	s22 =	sadd.s32 $0x800, s19;
	[dreg:$0x1b] =	wrdreg s24  }
0x24: {  	s26 =	sadd.s32 $0x470000, s14;
	s28 =	sadd.s32 $0x480000, s14;
	[dreg:$0x14] =	wrdreg s4  }
0x25: {  	s29 =	sadd.s32 $0x490000, s14;
	s31 =	sadd.s32 $0x4A0000, s14;
	[dreg:$0x16] =	wrdreg s20  }
0x26: {  	s8 =	simm.s32 $0x1;
	s15 =	simm.s32 $0x3;
	[dreg:$0x17] =	wrdreg s22  }
0x27: {  	s19 =	simm.s32 $0xC908;
	s24 =	simm.s32 $0xB;
	[dreg:$0x1d] =	wrdreg s26  }
0x28: {  	s17 =	sadd.s32 s0, s16;
	s0 =	sadd.s32 s13, s0;
	[dreg:$0x1e] =	wrdreg s28  }
0x29: {  	s4 =	sadd.s32 s21, s2;
	s30 =	sadd.s32 $0x1400, s1;
	[dreg:$0x1f] =	wrdreg s29  }
0x2a: {  	[smem:$0x7FD] =	sst s31;
	s1 =	simm.s32 $0x708;
	s13 =	simm.s32 $0x5  }
0x2b: {  	s16 =	simm.s32 $0x8908;
	s20 =	simm.s32 $0x7;
	s21 =	simm.s32 $0x8  }
0x2c: {  	s22 =	simm.s32 $0xA;
	[dreg:$0x15] =	wrdreg s17;
	s0 =	sadd.s32 $0x30000, s0  }
0x2d: {  	s26 =	simm.s32 $0x0;
	[dreg:$0x6] =	wrdreg s0;
	s0 =	sshrl.u32 @!p1 s5, $0x3  }
0x2e: {  	s17 =	simm.s32 $0x6;
	[dreg:$0x19] =	wrdreg s0;
	s0 =	sshrl.u32 @!p0 s4, $0x3  }
0x2f: {  	s5 =	simm.s32 $0x788;
	s4 =	simm.s32 $0x9;
	[dreg:$0x1a] =	wrdreg s0  }
.LBB2_1:
0x30: {  	s0 =	rddreg [dreg:$0x7]  }
0x31: {  	s31 =	rddreg [dreg:$0x8]  }
0x32: {  	s23 =	rddreg [dreg:$0x9]  }
0x33: {  	[tilespmem:s1], [sflag:$0x1] =	stream.linear.gather [hbm4b:s0+s3], $0x80, $0x38;
	[tilespmem:$0x10908] =	vst v63  }
0x34: {  	s28 =	rddreg [dreg:$0x19]  }
0x35: {  	[tilespmem:s5], [sflag:$0x2] =	stream.linear.gather [hbm4b:s31+s3], $0x80, $0x38;
	[tilespmem:$0x10908] =	vst v63  }
0x36: {  	s0 =	rddreg [dreg:$0x10]  }
0x37: {  	[tilespmem:s6], [sflag:$0x3] =	stream.linear.gather [hbm4b:s23+s3], $0x80, $0x38;
	[tilespmem:$0x10908] =	vst v63  }
0x38: {  	s31 =	rddreg [dreg:$0xe];
	s23 =	simm.s32 @!p1 $0x1F8D  }
0x39: {  	[tilespmem:s7], [sflag:$0x4] =	stream.linear.gather [hbm4b:s31+s3], $0x80, $0x38;
	[tilespmem:$0x10908] =	vst v63  }
0x3a: {  	[spmem:s28], [sflag:s23] =	dma.local @!p1 [hbm:s0], $0x10  }
0x3b: {  	s23 =	simm.s32 @!p1 $0xD  }
0x3c: {  	s0 =	stileid.u32;
	_ =	swait.ge @!p1 [sflag:s23], $0x10  }
0x3d: {  	s28 =	sshll.u32 @!p0 s0, $0x6;
	[sflag:s23] =	ssyncset.done @!p1 $0x0;
	s0 =	rddreg [dreg:$0xf]  }
0x3e: {  	[sflag:s23] =	ssyncadd.s32 @!p1 $0xFFFFFFF0;
	s23 =	sor.u32 @!p0 $0x1C0D, s28;
	s28 =	rddreg [dreg:$0x1a]  }
0x3f: {  	[spmem:s28], [sflag:s23] =	dma.local @!p0 [hbm:s0], $0x100  }
0x40: {  	s23 =	simm.s32 @!p0 $0xD  }
0x41: {  	_ =	swait.ge @!p0 [sflag:s23], $0x100  }
0x42: {  	[sflag:s23] =	ssyncset.done @!p0 $0x0  }
0x43: {  	[sflag:s23] =	ssyncadd.s32 @!p0 $0xFFFFFF00  }
0x44: {  	[bflag:$0x0] =	sbarrier.arrive $0xFFFF  }
0x45: {  	_ =	swait.ge [sflag:s8], $0x80  }
0x46: {  	[sflag:s8] =	ssyncset.done $0x0  }
0x47: {  	[sflag:s8] =	ssyncadd.s32 $0xFFFFFF80  }
0x48: {  	[tilespmem:s10], [sflag:$0x5] =	stream.indirect.gather [spmem:s2], $0x80, s1, s9, $0xb8;
	[tilespmem:$0x10908] =	vst v63  }
0x49: {  	_ =	swait.ge [sflag:s11], $0x80  }
0x4a: {  	[sflag:s11] =	ssyncset.done $0x0  }
0x4b: {  	[sflag:s11] =	ssyncadd.s32 $0xFFFFFF80  }
0x4c: {  	[tilespmem:s12], [sflag:$0x6] =	stream.indirect.gather [spmem:s2], $0x80, s5, s9, $0xb8;
	[tilespmem:$0x10908] =	vst v63  }
0x4d: {  	_ =	swait.ge [sflag:s13], $0x4000  }
0x4e: {  	[sflag:s13] =	ssyncset.done $0x0  }
0x4f: {  	[sflag:s13] =	ssyncadd.s32 $0xFFFFC000  }
0x50: {  	[hbm4b:s14+s3] =	stream.linear.scatter [tilespmem:s10], [sflag:$0x9], $0x4000, $0x38;
	[tilespmem:$0x10908] =	vst v63  }
0x51: {  	s23 =	rddreg [dreg:$0x17]  }
0x52: {  	[tilespmem:s1], [sflag:$0x1] =	stream.linear.gather [hbm4b:s23+s3], $0x80, $0x38;
	[tilespmem:$0x10908] =	vst v63  }
0x53: {  	_ =	swait.ge [sflag:s15], $0x80  }
0x54: {  	[sflag:s15] =	ssyncset.done $0x0  }
0x55: {  	[sflag:s15] =	ssyncadd.s32 $0xFFFFFF80  }
0x56: {  	[tilespmem:s16], [sflag:$0x7] =	stream.indirect.gather [spmem:s2], $0x80, s6, s9, $0xb8;
	[tilespmem:$0x10908] =	vst v63  }
0x57: {  	_ =	swait.ge [sflag:s17], $0x4000  }
0x58: {  	[sflag:s17] =	ssyncset.done $0x0  }
0x59: {  	s31 =	rddreg [dreg:$0x11];
	[sflag:s17] =	ssyncadd.s32 $0xFFFFC000  }
0x5a: {  	[hbm4b:s31+s3] =	stream.linear.scatter [tilespmem:s12], [sflag:$0xA], $0x4000, $0x38;
	[tilespmem:$0x10908] =	vst v63  }
0x5b: {  	s23 =	rddreg [dreg:$0x1b]  }
0x5c: {  	[tilespmem:s5], [sflag:$0x2] =	stream.linear.gather [hbm4b:s23+s3], $0x80, $0x38;
	[tilespmem:$0x10908] =	vst v63  }
0x5d: {  	_ =	swait.ge [sflag:s18], $0x80  }
0x5e: {  	[sflag:s18] =	ssyncset.done $0x0  }
0x5f: {  	[sflag:s18] =	ssyncadd.s32 $0xFFFFFF80  }
0x60: {  	[tilespmem:s19], [sflag:$0x8] =	stream.indirect.gather [spmem:s2], $0x80, s7, s9, $0xb8;
	[tilespmem:$0x10908] =	vst v63  }
0x61: {  	_ =	swait.ge [sflag:s20], $0x4000  }
0x62: {  	[sflag:s20] =	ssyncset.done $0x0  }
0x63: {  	s31 =	rddreg [dreg:$0x12];
	[sflag:s20] =	ssyncadd.s32 $0xFFFFC000  }
0x64: {  	[hbm4b:s31+s3] =	stream.linear.scatter [tilespmem:s16], [sflag:$0xB], $0x4000, $0x38;
	[tilespmem:$0x10908] =	vst v63  }
0x65: {  	s23 =	rddreg [dreg:$0x1c]  }
0x66: {  	[tilespmem:s6], [sflag:$0x3] =	stream.linear.gather [hbm4b:s23+s3], $0x80, $0x38;
	[tilespmem:$0x10908] =	vst v63  }
0x67: {  	_ =	swait.ge [sflag:s8], $0x80  }
0x68: {  	[sflag:s8] =	ssyncset.done $0x0  }
0x69: {  	[sflag:s8] =	ssyncadd.s32 $0xFFFFFF80  }
0x6a: {  	_ =	swait.ge [sflag:s4], $0x4000  }
0x6b: {  	[sflag:s4] =	ssyncset.done $0x0  }
0x6c: {  	[sflag:s4] =	ssyncadd.s32 $0xFFFFC000  }
0x6d: {  	[tilespmem:s10], [sflag:$0x5] =	stream.indirect.gather [spmem:s2], $0x80, s1, s9, $0xb8;
	[tilespmem:$0x10908] =	vst v63  }
0x6e: {  	_ =	swait.ge [sflag:s21], $0x4000  }
0x6f: {  	s31 =	rddreg [dreg:$0x6];
	[sflag:s21] =	ssyncset.done $0x0  }
0x70: {  	[sflag:s21] =	ssyncadd.s32 $0xFFFFC000;
	s23 =	sadd.s32 $0x0, s31  }
0x71: {  	[hbm4b:s23+s3] =	stream.linear.scatter [tilespmem:s19], [sflag:$0xC], $0x4000, $0x38;
	[tilespmem:$0x10908] =	vst v63  }
0x72: {  	s0 =	sadd.s32 $0xFFFFFA00, s30  }
0x73: {  	[tilespmem:s7], [sflag:$0x4] =	stream.linear.gather [hbm4b:s0+s3], $0x80, $0x38;
	[tilespmem:$0x10908] =	vst v63  }
0x74: {  	_ =	swait.ge [sflag:s11], $0x80  }
0x75: {  	[sflag:s11] =	ssyncset.done $0x0  }
0x76: {  	[sflag:s11] =	ssyncadd.s32 $0xFFFFFF80  }
0x77: {  	_ =	swait.ge [sflag:s22], $0x4000  }
0x78: {  	[sflag:s22] =	ssyncset.done $0x0  }
0x79: {  	[sflag:s22] =	ssyncadd.s32 $0xFFFFC000  }
0x7a: {  	[tilespmem:s12], [sflag:$0x6] =	stream.indirect.gather [spmem:s2], $0x80, s5, s9, $0xb8;
	[tilespmem:$0x10908] =	vst v63  }
0x7b: {  	_ =	swait.ge [sflag:s13], $0x4000  }
0x7c: {  	s31 =	rddreg [dreg:$0x5]  }
0x7d: {  	[sflag:s13] =	ssyncset.done $0x0;
	s23 =	sadd.s32 $0x0, s31  }
0x7e: {  	[sflag:s13] =	ssyncadd.s32 $0xFFFFC000;
	s28 =	sadd.s32 $0x40000, s23  }
0x7f: {  	[hbm4b:s28+s3] =	stream.linear.scatter [tilespmem:s10], [sflag:$0x9], $0x4000, $0x38;
	[tilespmem:$0x10908] =	vst v63  }
0x80: {  	s28 =	sadd.s32 $0xFFFFFC00, s30  }
0x81: {  	[tilespmem:s1], [sflag:$0x1] =	stream.linear.gather [hbm4b:s28+s3], $0x80, $0x38;
	[tilespmem:$0x10908] =	vst v63  }
0x82: {  	_ =	swait.ge [sflag:s15], $0x80  }
0x83: {  	[sflag:s15] =	ssyncset.done $0x0  }
0x84: {  	[sflag:s15] =	ssyncadd.s32 $0xFFFFFF80  }
0x85: {  	_ =	swait.ge [sflag:s24], $0x4000  }
0x86: {  	[sflag:s24] =	ssyncset.done $0x0  }
0x87: {  	[sflag:s24] =	ssyncadd.s32 $0xFFFFC000  }
0x88: {  	[tilespmem:s16], [sflag:$0x7] =	stream.indirect.gather [spmem:s2], $0x80, s6, s9, $0xb8;
	[tilespmem:$0x10908] =	vst v63  }
0x89: {  	_ =	swait.ge [sflag:s17], $0x4000  }
0x8a: {  	[sflag:s17] =	ssyncset.done $0x0  }
0x8b: {  	s28 =	sadd.s32 $0x50000, s23;
	[sflag:s17] =	ssyncadd.s32 $0xFFFFC000  }
0x8c: {  	[hbm4b:s28+s3] =	stream.linear.scatter [tilespmem:s12], [sflag:$0xA], $0x4000, $0x38;
	[tilespmem:$0x10908] =	vst v63  }
0x8d: {  	s28 =	sadd.s32 $0xFFFFFE00, s30  }
0x8e: {  	[tilespmem:s5], [sflag:$0x2] =	stream.linear.gather [hbm4b:s28+s3], $0x80, $0x38;
	[tilespmem:$0x10908] =	vst v63  }
0x8f: {  	_ =	swait.ge [sflag:s18], $0x80  }
0x90: {  	[sflag:s18] =	ssyncset.done $0x0  }
0x91: {  	[sflag:s18] =	ssyncadd.s32 $0xFFFFFF80  }
0x92: {  	_ =	swait.ge [sflag:s25], $0x4000  }
0x93: {  	[sflag:s25] =	ssyncset.done $0x0  }
0x94: {  	[sflag:s25] =	ssyncadd.s32 $0xFFFFC000  }
0x95: {  	[tilespmem:s19], [sflag:$0x8] =	stream.indirect.gather [spmem:s2], $0x80, s7, s9, $0xb8;
	[tilespmem:$0x10908] =	vst v63  }
0x96: {  	_ =	swait.ge [sflag:s20], $0x4000  }
0x97: {  	[sflag:s20] =	ssyncset.done $0x0  }
0x98: {  	s23 =	sadd.s32 $0x60000, s23;
	[sflag:s20] =	ssyncadd.s32 $0xFFFFC000  }
0x99: {  	[hbm4b:s23+s3] =	stream.linear.scatter [tilespmem:s16], [sflag:$0xB], $0x4000, $0x38;
	[tilespmem:$0x10908] =	vst v63  }
0x9a: {  	s29 =	sadd.s32 $0x800, s30;
	s28 =	simm.s32 $0x40000;
	s23 =	smov.u32 s30  }
.LBB2_2:
0x9b: {  	[tilespmem:s6], [sflag:$0x3] =	stream.linear.gather [hbm4b:s23+s3], $0x80, $0x38;
	[tilespmem:$0x10908] =	vst v63  }
0x9c: {  	_ =	swait.ge [sflag:s8], $0x80  }
0x9d: {  	[sflag:s8] =	ssyncset.done $0x0  }
0x9e: {  	[sflag:s8] =	ssyncadd.s32 $0xFFFFFF80  }
0x9f: {  	_ =	swait.ge [sflag:s4], $0x4000  }
0xa0: {  	[sflag:s4] =	ssyncset.done $0x0  }
0xa1: {  	[sflag:s4] =	ssyncadd.s32 $0xFFFFC000  }
0xa2: {  	[tilespmem:s10], [sflag:$0x5] =	stream.indirect.gather [spmem:s2], $0x80, s1, s9, $0xb8;
	[tilespmem:$0x10908] =	vst v63  }
0xa3: {  	_ =	swait.ge [sflag:s21], $0x4000  }
0xa4: {  	s31 =	smov.u32 s28;
	s0 =	rddreg [dreg:$0x6];
	[sflag:s21] =	ssyncset.done $0x0  }
0xa5: {  	[sflag:s21] =	ssyncadd.s32 $0xFFFFC000;
	s0 =	sadd.s32 s31, s0  }
0xa6: {  	[hbm4b:s0+s3] =	stream.linear.scatter [tilespmem:s19], [sflag:$0xC], $0x4000, $0x38;
	[tilespmem:$0x10908] =	vst v63  }
0xa7: {  	s0 =	sadd.s32 $0xFFFFFA00, s29  }
0xa8: {  	[tilespmem:s7], [sflag:$0x4] =	stream.linear.gather [hbm4b:s0+s3], $0x80, $0x38;
	[tilespmem:$0x10908] =	vst v63  }
0xa9: {  	_ =	swait.ge [sflag:s11], $0x80  }
0xaa: {  	[sflag:s11] =	ssyncset.done $0x0  }
0xab: {  	[sflag:s11] =	ssyncadd.s32 $0xFFFFFF80  }
0xac: {  	_ =	swait.ge [sflag:s22], $0x4000  }
0xad: {  	[sflag:s22] =	ssyncset.done $0x0  }
0xae: {  	[sflag:s22] =	ssyncadd.s32 $0xFFFFC000  }
0xaf: {  	[tilespmem:s12], [sflag:$0x6] =	stream.indirect.gather [spmem:s2], $0x80, s5, s9, $0xb8;
	[tilespmem:$0x10908] =	vst v63  }
0xb0: {  	_ =	swait.ge [sflag:s13], $0x4000  }
0xb1: {  	s0 =	rddreg [dreg:$0x5]  }
0xb2: {  	[sflag:s13] =	ssyncset.done $0x0;
	s0 =	sadd.s32 s31, s0  }
0xb3: {  	[sflag:s13] =	ssyncadd.s32 $0xFFFFC000;
	s31 =	sadd.s32 $0x40000, s0  }
0xb4: {  	[hbm4b:s31+s3] =	stream.linear.scatter [tilespmem:s10], [sflag:$0x9], $0x4000, $0x38;
	[tilespmem:$0x10908] =	vst v63  }
0xb5: {  	s31 =	sadd.s32 $0xFFFFFC00, s29  }
0xb6: {  	[tilespmem:s1], [sflag:$0x1] =	stream.linear.gather [hbm4b:s31+s3], $0x80, $0x38;
	[tilespmem:$0x10908] =	vst v63  }
0xb7: {  	_ =	swait.ge [sflag:s15], $0x80  }
0xb8: {  	[sflag:s15] =	ssyncset.done $0x0  }
0xb9: {  	[sflag:s15] =	ssyncadd.s32 $0xFFFFFF80  }
0xba: {  	_ =	swait.ge [sflag:s24], $0x4000  }
0xbb: {  	[sflag:s24] =	ssyncset.done $0x0  }
0xbc: {  	[sflag:s24] =	ssyncadd.s32 $0xFFFFC000  }
0xbd: {  	[tilespmem:s16], [sflag:$0x7] =	stream.indirect.gather [spmem:s2], $0x80, s6, s9, $0xb8;
	[tilespmem:$0x10908] =	vst v63  }
0xbe: {  	_ =	swait.ge [sflag:s17], $0x4000  }
0xbf: {  	[sflag:s17] =	ssyncset.done $0x0  }
0xc0: {  	s31 =	sadd.s32 $0x50000, s0;
	[sflag:s17] =	ssyncadd.s32 $0xFFFFC000  }
0xc1: {  	[hbm4b:s31+s3] =	stream.linear.scatter [tilespmem:s12], [sflag:$0xA], $0x4000, $0x38;
	[tilespmem:$0x10908] =	vst v63  }
0xc2: {  	s31 =	sadd.s32 $0xFFFFFE00, s29  }
0xc3: {  	[tilespmem:s5], [sflag:$0x2] =	stream.linear.gather [hbm4b:s31+s3], $0x80, $0x38;
	[tilespmem:$0x10908] =	vst v63  }
0xc4: {  	_ =	swait.ge [sflag:s18], $0x80  }
0xc5: {  	[sflag:s18] =	ssyncset.done $0x0  }
0xc6: {  	[sflag:s18] =	ssyncadd.s32 $0xFFFFFF80  }
0xc7: {  	_ =	swait.ge [sflag:s25], $0x4000  }
0xc8: {  	[sflag:s25] =	ssyncset.done $0x0  }
0xc9: {  	p3 =	sne.s32 s28, $0x400000;
	[sflag:s25] =	ssyncadd.s32 $0xFFFFC000  }
0xca: {  	[tilespmem:s19], [sflag:$0x8] =	stream.indirect.gather [spmem:s2], $0x80, s7, s9, $0xb8;
	[tilespmem:$0x10908] =	vst v63  }
.Ltmp0:
0xcb: {  	_ = 	snop;
	(pc) =	sbr.rel @p3 .LBB2_2-.Ltmp0, $4  }
0xcc: {  	_ =	swait.ge [sflag:s20], $0x4000  }
0xcd: {  	s23 =	smov.u32 s29;
	s28 =	sadd.s32 $0x40000, s28;
	[sflag:s20] =	ssyncset.done $0x0  }
0xce: {  	s0 =	sadd.s32 $0x60000, s0;
	s29 =	sadd.s32 $0x800, s29;
	[sflag:s20] =	ssyncadd.s32 $0xFFFFC000  }
0xcf: {  	[hbm4b:s0+s3] =	stream.linear.scatter [tilespmem:s16], [sflag:$0xB], $0x4000, $0x38;
	[tilespmem:$0x10908] =	vst v63  }
0xd0: {  	[tilespmem:s6], [sflag:$0x3] =	stream.linear.gather [hbm4b:s23+s3], $0x80, $0x38;
	[tilespmem:$0x10908] =	vst v63  }
0xd1: {  	_ =	swait.ge [sflag:s8], $0x80  }
0xd2: {  	[sflag:s8] =	ssyncset.done $0x0  }
0xd3: {  	[sflag:s8] =	ssyncadd.s32 $0xFFFFFF80  }
0xd4: {  	_ =	swait.ge [sflag:s4], $0x4000  }
0xd5: {  	[sflag:s4] =	ssyncset.done $0x0  }
0xd6: {  	[sflag:s4] =	ssyncadd.s32 $0xFFFFC000  }
0xd7: {  	[tilespmem:s10], [sflag:$0x5] =	stream.indirect.gather [spmem:s2], $0x80, s1, s9, $0xb8;
	[tilespmem:$0x10908] =	vst v63  }
0xd8: {  	_ =	swait.ge [sflag:s21], $0x4000  }
0xd9: {  	[sflag:s21] =	ssyncset.done $0x0  }
0xda: {  	s0 =	rddreg [dreg:$0x1d];
	[sflag:s21] =	ssyncadd.s32 $0xFFFFC000  }
0xdb: {  	[hbm4b:s0+s3] =	stream.linear.scatter [tilespmem:s19], [sflag:$0xC], $0x4000, $0x38;
	[tilespmem:$0x10908] =	vst v63  }
0xdc: {  	s29 =	rddreg [dreg:$0xa]  }
0xdd: {  	[tilespmem:s7], [sflag:$0x4] =	stream.linear.gather [hbm4b:s29+s3], $0x80, $0x38;
	[tilespmem:$0x10908] =	vst v63  }
0xde: {  	_ =	swait.ge [sflag:s11], $0x80  }
0xdf: {  	[sflag:s11] =	ssyncset.done $0x0  }
0xe0: {  	[sflag:s11] =	ssyncadd.s32 $0xFFFFFF80  }
0xe1: {  	_ =	swait.ge [sflag:s22], $0x4000  }
0xe2: {  	[sflag:s22] =	ssyncset.done $0x0  }
0xe3: {  	[sflag:s22] =	ssyncadd.s32 $0xFFFFC000  }
0xe4: {  	[tilespmem:s12], [sflag:$0x6] =	stream.indirect.gather [spmem:s2], $0x80, s5, s9, $0xb8;
	[tilespmem:$0x10908] =	vst v63  }
0xe5: {  	_ =	swait.ge [sflag:s13], $0x4000  }
0xe6: {  	[sflag:s13] =	ssyncset.done $0x0  }
0xe7: {  	s31 =	rddreg [dreg:$0x1e];
	[sflag:s13] =	ssyncadd.s32 $0xFFFFC000  }
0xe8: {  	[hbm4b:s31+s3] =	stream.linear.scatter [tilespmem:s10], [sflag:$0x9], $0x4000, $0x38;
	[tilespmem:$0x10908] =	vst v63  }
0xe9: {  	s23 =	rddreg [dreg:$0xb]  }
0xea: {  	[tilespmem:s1], [sflag:$0x1] =	stream.linear.gather [hbm4b:s23+s3], $0x80, $0x38;
	[tilespmem:$0x10908] =	vst v63  }
0xeb: {  	_ =	swait.ge [sflag:s15], $0x80  }
0xec: {  	[sflag:s15] =	ssyncset.done $0x0  }
0xed: {  	[sflag:s15] =	ssyncadd.s32 $0xFFFFFF80  }
0xee: {  	_ =	swait.ge [sflag:s24], $0x4000  }
0xef: {  	[sflag:s24] =	ssyncset.done $0x0  }
0xf0: {  	[sflag:s24] =	ssyncadd.s32 $0xFFFFC000  }
0xf1: {  	[tilespmem:s16], [sflag:$0x7] =	stream.indirect.gather [spmem:s2], $0x80, s6, s9, $0xb8;
	[tilespmem:$0x10908] =	vst v63  }
0xf2: {  	_ =	swait.ge [sflag:s17], $0x4000  }
0xf3: {  	[sflag:s17] =	ssyncset.done $0x0  }
0xf4: {  	s28 =	rddreg [dreg:$0x1f];
	[sflag:s17] =	ssyncadd.s32 $0xFFFFC000  }
0xf5: {  	[hbm4b:s28+s3] =	stream.linear.scatter [tilespmem:s12], [sflag:$0xA], $0x4000, $0x38;
	[tilespmem:$0x10908] =	vst v63  }
0xf6: {  	s29 =	rddreg [dreg:$0xc]  }
0xf7: {  	[tilespmem:s5], [sflag:$0x2] =	stream.linear.gather [hbm4b:s29+s3], $0x80, $0x38;
	[tilespmem:$0x10908] =	vst v63  }
0xf8: {  	_ =	swait.ge [sflag:s18], $0x80  }
0xf9: {  	[sflag:s18] =	ssyncset.done $0x0  }
0xfa: {  	[sflag:s18] =	ssyncadd.s32 $0xFFFFFF80  }
0xfb: {  	_ =	swait.ge [sflag:s25], $0x4000  }
0xfc: {  	[sflag:s25] =	ssyncset.done $0x0  }
0xfd: {  	[sflag:s25] =	ssyncadd.s32 $0xFFFFC000  }
0xfe: {  	[tilespmem:s19], [sflag:$0x8] =	stream.indirect.gather [spmem:s2], $0x80, s7, s9, $0xb8;
	[tilespmem:$0x10908] =	vst v63  }
0xff: {  	_ =	swait.ge [sflag:s20], $0x4000  }
0x100: {  	s31 =	sld [smem:$0x7FD]  }
0x101: {  	[sflag:s20] =	ssyncset.done $0x0  }
0x102: {  	[sflag:s20] =	ssyncadd.s32 $0xFFFFC000  }
0x103: {  	[hbm4b:s31+s3] =	stream.linear.scatter [tilespmem:s16], [sflag:$0xB], $0x4000, $0x38;
	[tilespmem:$0x10908] =	vst v63  }
0x104: {  	_ =	swait.ge [sflag:s8], $0x80  }
0x105: {  	[sflag:s8] =	ssyncset.done $0x0  }
0x106: {  	[sflag:s8] =	ssyncadd.s32 $0xFFFFFF80  }
0x107: {  	_ =	swait.ge [sflag:s4], $0x4000  }
0x108: {  	[sflag:s4] =	ssyncset.done $0x0  }
0x109: {  	[sflag:s4] =	ssyncadd.s32 $0xFFFFC000  }
0x10a: {  	[tilespmem:s10], [sflag:$0x5] =	stream.indirect.gather [spmem:s2], $0x80, s1, s9, $0xb8;
	[tilespmem:$0x10908] =	vst v63  }
0x10b: {  	_ =	swait.ge [sflag:s21], $0x4000  }
0x10c: {  	[sflag:s21] =	ssyncset.done $0x0  }
0x10d: {  	s23 =	rddreg [dreg:$0x13];
	[sflag:s21] =	ssyncadd.s32 $0xFFFFC000  }
0x10e: {  	[hbm4b:s23+s3] =	stream.linear.scatter [tilespmem:s19], [sflag:$0xC], $0x4000, $0x38;
	[tilespmem:$0x10908] =	vst v63  }
0x10f: {  	_ =	swait.ge [sflag:s11], $0x80  }
0x110: {  	[sflag:s11] =	ssyncset.done $0x0  }
0x111: {  	[sflag:s11] =	ssyncadd.s32 $0xFFFFFF80  }
0x112: {  	_ =	swait.ge [sflag:s22], $0x4000  }
0x113: {  	[sflag:s22] =	ssyncset.done $0x0  }
0x114: {  	[sflag:s22] =	ssyncadd.s32 $0xFFFFC000  }
0x115: {  	[tilespmem:s12], [sflag:$0x6] =	stream.indirect.gather [spmem:s2], $0x80, s5, s9, $0xb8;
	[tilespmem:$0x10908] =	vst v63  }
0x116: {  	_ =	swait.ge [sflag:s13], $0x4000  }
0x117: {  	[sflag:s13] =	ssyncset.done $0x0  }
0x118: {  	s28 =	rddreg [dreg:$0x14];
	[sflag:s13] =	ssyncadd.s32 $0xFFFFC000  }
0x119: {  	[hbm4b:s28+s3] =	stream.linear.scatter [tilespmem:s10], [sflag:$0x9], $0x4000, $0x38;
	[tilespmem:$0x10908] =	vst v63  }
0x11a: {  	_ =	swait.ge [sflag:s17], $0x4000  }
0x11b: {  	[sflag:s17] =	ssyncset.done $0x0  }
0x11c: {  	s29 =	rddreg [dreg:$0x15];
	[sflag:s17] =	ssyncadd.s32 $0xFFFFC000  }
0x11d: {  	[hbm4b:s29+s3] =	stream.linear.scatter [tilespmem:s12], [sflag:$0xA], $0x4000, $0x38;
	[tilespmem:$0x10908] =	vst v63  }
0x11e: {  	_ =	swait.ge [sflag:s24], $0x4000  }
0x11f: {  	[sflag:s24] =	ssyncset.done $0x0  }
0x120: {  	[sflag:s24] =	ssyncadd.s32 $0xFFFFC000  }
0x121: {  	_ =	swait.ge [sflag:s25], $0x4000  }
0x122: {  	[sflag:s25] =	ssyncset.done $0x0  }
0x123: {  	[sflag:s25] =	ssyncadd.s32 $0xFFFFC000  }
0x124: {  	_ =	swait.ge [sflag:s4], $0x4000  }
0x125: {  	[sflag:s4] =	ssyncset.done $0x0  }
0x126: {  	[sflag:s4] =	ssyncadd.s32 $0xFFFFC000  }
0x127: {  	_ =	swait.ge [sflag:s22], $0x4000  }
0x128: {  	s0 =	simm.s32 @!p2 $0x0;
	[sflag:s22] =	ssyncset.done $0x0  }
0x129: {  	s23 =	simm.s32 @!p2 $0x708;
	s28 =	rddreg [dreg:$0xd];
	[sflag:s22] =	ssyncadd.s32 $0xFFFFC000  }
0x12a: {  	[tilespmem:s23], [sflag:$0xD] =	stream.linear.gather @!p2 [hbm4b:s28+s0], $0x80, $0x38;
	[tilespmem:$0x10908] =	vst v63  }
0x12b: {  	s28 =	simm.s32 @!p2 $0xD  }
0x12c: {  	_ =	swait.ge @!p2 [sflag:s28], $0x80  }
0x12d: {  	[sflag:s28] =	ssyncset.done @!p2 $0x0  }
0x12e: {  	s31 =	simm.s32 @!p2 $0x908;
	s29 =	simm.s32 @!p2 $0x80;
	[sflag:s28] =	ssyncadd.s32 @!p2 $0xFFFFFF80  }
0x12f: {  	[tilespmem:s31], [sflag:$0x5] =	stream.indirect.gather @!p2 [spmem:s2], $0x80, s23, s29, $0xb8;
	[tilespmem:$0x10908] =	vst v63  }
0x130: {  	s23 =	simm.s32 @!p2 $0x5  }
0x131: {  	_ =	swait.ge @!p2 [sflag:s23], $0x4000  }
0x132: {  	[sflag:s23] =	ssyncset.done @!p2 $0x0  }
0x133: {  	[sflag:s23] =	ssyncadd.s32 @!p2 $0xFFFFC000;
	s23 =	rddreg [dreg:$0x16]  }
0x134: {  	[hbm4b:s23+s0] =	stream.linear.scatter @!p2 [tilespmem:s31], [sflag:$0xD], $0x4000, $0x38;
	[tilespmem:$0x10908] =	vst v63  }
0x135: {  	_ =	swait.ge @!p2 [sflag:s28], $0x4000  }
0x136: {  	s26 =	sadd.s32 $0x1, s26;
	s31 =	rddreg [dreg:$0x18]  }
0x137: {  	p3 =	sne.s32 s26, s31  }
.Ltmp1:
0x138: {  	_ = 	snop;
	(pc) =	sbr.rel @p3 .LBB2_1-.Ltmp1, $3  }
0x139: {  	_ =	sdelay $0x1  }
0x13a: {  	[sflag:s28] =	ssyncset.done @!p2 $0x0  }
0x13b: {  	[sflag:s28] =	ssyncadd.s32 @!p2 $0xFFFFC000  }
0x13c: {  	_ =	sfence.sel $0x180000  }
0x13d: {  	[bflag:$0x0] =	sbarrier.arrive $0xFFFF  }
0x13e: {  	_ =	strace $0x90000047  }
0x13f: {  	s0 =	stileid.u32;
	[bflag:$0x2] =	sbarrier.arrive $0xFFFF  }
0x140: {  	p0 =	sne.s32 s0, $0x0;
	s0 =	rddreg [dreg:$0x4]  }
0x141: {  	s0 =	sadd.s32 @!p0 $0x100000, s0  }
0x142: {  	[sflag:s0] =	ssyncadd.tile.s32 @!p0 $0x1;
	_ =	shalt  }
.Lfunc_end2:
_tile_overlayer_lowered:
.L_overlay_start_2:
0x143: {  	(tag) =	ssettag $0x2  }
0x144: {  	s0 =	rddreg [dreg:$0x0];
	s2 =	stileid.u32  }
0x145: {  	s1 =	rddreg [dreg:$0x1];
	p0 =	sne.s32 s2, $0x0  }
0x146: {  	s3 =	rddreg [dreg:$0x2];
	[bflag:$0x3] =	sbarrier.arrive $0xFFFF;
	s2 =	simm.s32 @!p0 $0x1C0D  }
0x147: {  	[timem:s3], [sflag:s2] =	dma.local @!p0 [hbm:s0], s1  }
0x148: {  	s0 =	simm.s32 @!p0 $0xD  }
0x149: {  	_ =	swait.ge @!p0 [sflag:s0], s1  }
0x14a: {  	s1 =	ssub.s32 @!p0 $0x0, s1;
	[sflag:s0] =	ssyncset.done @!p0 $0x0  }
0x14b: {  	[sflag:s0] =	ssyncadd.s32 @!p0 s1  }
0x14c: {  	[bflag:$0x3] =	sbarrier.arrive $0xFFFF  }
0x14d: {  	_ =	shalt  }

</sc_bundles>
